<compile_context>
chip_gen: v7x
topology: tpu7x:2x2x1
jax: 0.10.2.dev20260603
libtpu: 0.0.44.dev20260713+nightly
codegen_flags: <defaults>
</compile_context>

<pallas_src>
import functools

import jax
import jax.numpy as jnp
from jax.experimental import pallas as pl
from jax.experimental.pallas import tpu as pltpu

_D = 256
_K = 512
_NVQ = 4
_T = 2048
_H = 2
_TS = _T // _H


def _rvq_kernel(x_ref, cb_ref, w_ref, b_ref,
                y_ref, idx_ref, loss_ref,
                cbt_ref, hi_ref, mid_ref, lo_ref, wt_ref, p3_ref, cbsq_ref):
    step = pl.program_id(0)

    @pl.when(step == 0)
    def _precompute():
        mask = jnp.uint32(0xFFFF0000)
        wt = w_ref[...].T
        wt_ref[...] = wt
        for s in range(_NVQ):
            cb = cb_ref[s]
            cbt = cb.T
            cbt_ref[s] = cbt
            cbsq_ref[s:s + 1, :] = jnp.sum(cbt * cbt, axis=0, keepdims=True)
            bits = jax.lax.bitcast_convert_type(cb, jnp.uint32)
            hi32 = jax.lax.bitcast_convert_type(bits & mask, jnp.float32)
            r1 = cb - hi32
            r1bits = jax.lax.bitcast_convert_type(r1, jnp.uint32)
            mid32 = jax.lax.bitcast_convert_type(r1bits & mask, jnp.float32)
            hi_ref[s] = hi32.astype(jnp.bfloat16)
            mid_ref[s] = mid32.astype(jnp.bfloat16)
            lo_ref[s] = (r1 - mid32).astype(jnp.bfloat16)
            if s == 3:
                p3_ref[...] = jax.lax.dot_general(
                    hi32.astype(jnp.bfloat16), wt.astype(jnp.bfloat16),
                    (((1,), (0,)), ((), ())),
                    preferred_element_type=jnp.float32).astype(jnp.bfloat16)

    iota = jax.lax.broadcasted_iota(jnp.int32, (_TS, _K), 1)
    dot = lambda a, b: jax.lax.dot_general(
        a, b, (((1,), (0,)), ((), ())), preferred_element_type=jnp.float32)

    xs = [x_ref[h * _TS:(h + 1) * _TS, :] for h in range(_H)]
    rs = list(xs)
    ys = [jnp.zeros((_TS, _D), jnp.float32) for _ in range(_H)]
    parts = []

    for s in range(_NVQ):
        cbt = cbt_ref[s]
        cbsq = cbsq_ref[s:s + 1, :]
        for h in range(_H):
            r = rs[h]
            rsq = jnp.sum(r * r, axis=1, keepdims=True)
            sc = dot(r, cbt)
            d = (rsq - 2.0 * sc) + cbsq
            dmin = jnp.min(d, axis=1, keepdims=True)
            idx = jnp.min(jnp.where(d == dmin, iota, _K),
                          axis=1, keepdims=True)
            onehot = (iota == idx).astype(jnp.bfloat16)
            if s == 3:
                out = (dot(ys[h], wt_ref[...])
                       + dot(onehot, p3_ref[...]) + b_ref[...])
                y_ref[h * _TS:(h + 1) * _TS, :] = out
                continue
            q = ((dot(onehot, hi_ref[s]) + dot(onehot, mid_ref[s]))
                 + dot(onehot, lo_ref[s]))
            if s == 0:
                idx_ref[h * _TS:(h + 1) * _TS, :] = idx
                parts.append(jnp.sum((xs[h] - q) ** 2))
            x_hat = r + (q - r)
            rs[h] = r - x_hat
            ys[h] = ys[h] + x_hat

    part = sum(parts).reshape(1, 1)

    @pl.when(step == 0)
    def _init():
        loss_ref[...] = part

    @pl.when(step != 0)
    def _acc():
        loss_ref[...] += part


@functools.partial(jax.jit, static_argnames=())
def kernel(x, codebooks, W, b):
    n = x.shape[0]
    x = x.reshape(n, _D)
    grid = n // _T
    b2 = b.reshape(1, _D)

    y, idx, loss_sum = pl.pallas_call(
        _rvq_kernel,
        grid=(grid,),
        in_specs=[
            pl.BlockSpec((_T, _D), lambda i: (i, 0)),
            pl.BlockSpec((_NVQ, _K, _D), lambda i: (0, 0, 0)),
            pl.BlockSpec((_D, _D), lambda i: (0, 0)),
            pl.BlockSpec((1, _D), lambda i: (0, 0)),
        ],
        out_specs=[
            pl.BlockSpec((_T, _D), lambda i: (i, 0)),
            pl.BlockSpec((_T, 1), lambda i: (i, 0)),
            pl.BlockSpec((1, 1), lambda i: (0, 0)),
        ],
        out_shape=[
            jax.ShapeDtypeStruct((n, _D), jnp.float32),
            jax.ShapeDtypeStruct((n, 1), jnp.int32),
            jax.ShapeDtypeStruct((1, 1), jnp.float32),
        ],
        scratch_shapes=[
            pltpu.VMEM((_NVQ, _D, _K), jnp.float32),
            pltpu.VMEM((_NVQ, _K, _D), jnp.bfloat16),
            pltpu.VMEM((_NVQ, _K, _D), jnp.bfloat16),
            pltpu.VMEM((_NVQ, _K, _D), jnp.bfloat16),
            pltpu.VMEM((_D, _D), jnp.float32),
            pltpu.VMEM((_K, _D), jnp.bfloat16),
            pltpu.VMEM((8, _K), jnp.float32),
        ],
        compiler_params=pltpu.CompilerParams(
            dimension_semantics=("arbitrary",)),
    )(x, codebooks, W, b2)

    y = y.reshape(n, 1, _D)
    idx = idx.reshape(n)
    commit = (loss_sum / (n * _D)).reshape(())
    return y, idx, commit

# --- scband reference (transcript-rebuilt; emitter-appended) ---
"""Pipeline reference for scband-neural-network7-82325933130163 (READ-ONLY COPY).

The authoritative reference and input builder live on the scoring server;
editing this copy changes nothing except your own understanding.
"""

import jax, jax.numpy as jnp
import numpy as np

INPUT_DIM = 256
NUM_EMBEDDINGS = 512
NVQ = 4
N = 32768


def setup_inputs(seed: int = 0) -> dict:
    key = jax.random.key(seed)
    k1, k2, k3, k4 = jax.random.split(key, 4)
    x = jax.random.normal(k1, (N, INPUT_DIM), dtype=jnp.float32)
    # one codebook per residual VQ stage (nn.Embedding weights)
    codebooks = jax.random.normal(k2, (NVQ, NUM_EMBEDDINGS, INPUT_DIM), dtype=jnp.float32)
    # nn.Linear(input_dim, input_dim) params
    bound = 1.0 / np.sqrt(INPUT_DIM)
    W = jax.random.uniform(k3, (INPUT_DIM, INPUT_DIM), dtype=jnp.float32, minval=-bound, maxval=bound)
    b = jax.random.uniform(k4, (INPUT_DIM,), dtype=jnp.float32, minval=-bound, maxval=bound)
    return {"x": x, "codebooks": codebooks, "W": W, "b": b}


def _vq_stage(x, cb):
    # squared L2 distances to every codebook entry
    d = (jnp.sum(x * x, axis=1, keepdims=True)
         - 2.0 * (x @ cb.T)
         + jnp.sum(cb * cb, axis=1)[None, :])
    idx = jnp.argmin(d, axis=1)
    quant = jnp.take(cb, idx, axis=0)
    commitment_loss = jnp.mean((x - jax.lax.stop_gradient(quant)) ** 2)
    dictionary_loss = jnp.mean((jax.lax.stop_gradient(x) - quant) ** 2)
    # straight-through estimator
    x_hat = x + jax.lax.stop_gradient(quant - x)
    return x_hat, dictionary_loss, commitment_loss, idx


def reference(x, codebooks, W, b):
    x = x.reshape(x.shape[0], INPUT_DIM)
    y = jnp.zeros_like(x)
    commitment_loss_stage = []
    encoding_indices_stage = []
    for i in range(NVQ):
        x_hat, dict_loss, commit_loss, idx = _vq_stage(x, codebooks[i])
        x = x - x_hat
        y = y + x_hat
        commitment_loss_stage.append(commit_loss)
        encoding_indices_stage.append(idx)
    y = y.reshape(y.shape[0], 1, INPUT_DIM)
    y = y @ W.T + b[None, None, :]
    return y, encoding_indices_stage[0], commitment_loss_stage[0]

if __name__ == "__main__":
    import jax
    _d = setup_inputs()
    print(jax.jit(kernel)(*tuple(_d.values())))

</pallas_src>

<mosaic_0001>
module attributes {stable_mosaic.version = 14 : i64} {
  func.func @_rvq_kernel(%arg0: i32, %arg1: memref<2048x256xf32, #tpu.memory_space<vmem>>, %arg2: memref<4x512x256xf32, #tpu.memory_space<vmem>>, %arg3: memref<256x256xf32, #tpu.memory_space<vmem>>, %arg4: memref<1x256xf32, #tpu.memory_space<vmem>>, %arg5: memref<2048x256xf32, #tpu.memory_space<vmem>>, %arg6: memref<2048x1xi32, #tpu.memory_space<vmem>>, %arg7: memref<1x1xf32, #tpu.memory_space<vmem>>, %arg8: memref<4x256x512xf32, #tpu.memory_space<vmem>>, %arg9: memref<4x512x256xbf16, #tpu.memory_space<vmem>>, %arg10: memref<4x512x256xbf16, #tpu.memory_space<vmem>>, %arg11: memref<4x512x256xbf16, #tpu.memory_space<vmem>>, %arg12: memref<256x256xf32, #tpu.memory_space<vmem>>, %arg13: memref<512x256xbf16, #tpu.memory_space<vmem>>, %arg14: memref<8x512xf32, #tpu.memory_space<vmem>>) attributes {dimension_semantics = [#tpu.dimension_semantics<arbitrary>], iteration_bounds = array<i64: 16>, scalar_prefetch = 0 : i64, scratch_operands = 7 : i64, tpu.core_type = #tpu.core_type<tc>, window_params = [{transform_indices = @transform_0, window_bounds = array<i64: 2048, 256>}, {pipeline_mode = #tpu.pipeline_mode<synchronous>, transform_indices = @transform_1, window_bounds = array<i64: 4, 512, 256>}, {pipeline_mode = #tpu.pipeline_mode<synchronous>, transform_indices = @transform_2, window_bounds = array<i64: 256, 256>}, {pipeline_mode = #tpu.pipeline_mode<synchronous>, transform_indices = @transform_3, window_bounds = array<i64: 1, 256>}, {transform_indices = @transform_4, window_bounds = array<i64: 2048, 256>}, {transform_indices = @transform_5, window_bounds = array<i64: 2048, 1>}, {pipeline_mode = #tpu.pipeline_mode<synchronous>, transform_indices = @transform_6, window_bounds = array<i64: 1, 1>}]} {
    %eq3A = arith.constant 0 : i32
    %eq3A_0 = arith.cmpi eq, %arg0, %eq3A : i32
    %convert_element_type3A = arith.extui %eq3A_0 : i1 to i32
    %cond3A = arith.constant 0 : i32
    %cond3A_1 = arith.cmpi ne, %convert_element_type3A, %cond3A : i32
    scf.if %cond3A_1 {
      %get3A_496 = arith.constant 0 : index
      %get3A_497 = arith.constant 0 : index
      %get3A_498 = vector.load %arg3[%get3A_496, %get3A_497] : memref<256x256xf32, #tpu.memory_space<vmem>>, vector<256x256xf32>
      %transpose3A = tpu.transpose %get3A_498, [1, 0] : vector<256x256xf32> -> vector<256x256xf32>
      %swap3A_499 = arith.constant 0 : index
      %swap3A_500 = arith.constant 0 : index
      %swap3A_501 = vector.load %arg12[%swap3A_499, %swap3A_500] : memref<256x256xf32, #tpu.memory_space<vmem>>, vector<256x256xf32>
      tpu.vector_store %arg12[%swap3A_499, %swap3A_500], %transpose3A {strides = array<i32>} : memref<256x256xf32, #tpu.memory_space<vmem>>, vector<256x256xf32>,
      %get3A_502 = arith.constant 0 : index
      %get3A_503 = arith.constant 0 : index
      %get3A_504 = arith.constant 0 : index
      %get3A_505 = vector.load %arg2[%get3A_502, %get3A_503, %get3A_504] : memref<4x512x256xf32, #tpu.memory_space<vmem>>, vector<1x512x256xf32>
      %get3A_506 = vector.shape_cast %get3A_505 : vector<1x512x256xf32> to vector<512x256xf32>
      %transpose3A_507 = tpu.transpose %get3A_506, [1, 0] : vector<512x256xf32> -> vector<256x512xf32>
      %swap3A_508 = arith.constant 0 : index
      %swap3A_509 = arith.constant 0 : index
      %swap3A_510 = arith.constant 0 : index
      %swap3A_511 = vector.load %arg8[%swap3A_508, %swap3A_509, %swap3A_510] : memref<4x256x512xf32, #tpu.memory_space<vmem>>, vector<1x256x512xf32>
      %swap3A_512 = vector.shape_cast %swap3A_511 : vector<1x256x512xf32> to vector<256x512xf32>
      %swap3A_513 = vector.shape_cast %transpose3A_507 : vector<256x512xf32> to vector<1x256x512xf32>
      tpu.vector_store %arg8[%swap3A_508, %swap3A_509, %swap3A_510], %swap3A_513 {strides = array<i32>} : memref<4x256x512xf32, #tpu.memory_space<vmem>>, vector<1x256x512xf32>,
      %mul3A_514 = arith.mulf %transpose3A_507, %transpose3A_507 : vector<256x512xf32>
      %reduce_sum3A_515 = arith.constant dense<0.000000e+00> : vector<512xf32>
      %reduce_sum3A_516 = vector.multi_reduction <add>, %mul3A_514, %reduce_sum3A_515 [0] : vector<256x512xf32> to vector<512xf32>
      %broadcast_in_dim3A_517 = vector.shape_cast %reduce_sum3A_516 : vector<512xf32> to vector<1x512xf32>
      %swap3A_518 = arith.constant 0 : index
      %swap3A_519 = arith.constant 0 : index
      %swap3A_520 = vector.load %arg14[%swap3A_518, %swap3A_519] : memref<8x512xf32, #tpu.memory_space<vmem>>, vector<1x512xf32>
      tpu.vector_store %arg14[%swap3A_518, %swap3A_519], %broadcast_in_dim3A_517 {strides = array<i32>} : memref<8x512xf32, #tpu.memory_space<vmem>>, vector<1x512xf32>,
      %bitcast_convert_type3A = tpu.bitcast %get3A_506 : vector<512x256xf32> -> vector<512x256xi32>
      %and3A = arith.constant -65536 : i32
      %and3A_521 = vector.broadcast %and3A : i32 to vector<512x256xi32>
      %and3A_522 = arith.andi %bitcast_convert_type3A, %and3A_521 : vector<512x256xi32>
      %bitcast_convert_type3A_523 = tpu.bitcast %and3A_522 : vector<512x256xi32> -> vector<512x256xf32>
      %sub3A_524 = arith.subf %get3A_506, %bitcast_convert_type3A_523 : vector<512x256xf32>
      %bitcast_convert_type3A_525 = tpu.bitcast %sub3A_524 : vector<512x256xf32> -> vector<512x256xi32>
      %and3A_526 = arith.constant -65536 : i32
      %and3A_527 = vector.broadcast %and3A_526 : i32 to vector<512x256xi32>
      %and3A_528 = arith.andi %bitcast_convert_type3A_525, %and3A_527 : vector<512x256xi32>
      %bitcast_convert_type3A_529 = tpu.bitcast %and3A_528 : vector<512x256xi32> -> vector<512x256xf32>
      %convert_element_type3A_530 = arith.truncf %bitcast_convert_type3A_523 : vector<512x256xf32> to vector<512x256xbf16>
      %swap3A_531 = arith.constant 0 : index
      %swap3A_532 = arith.constant 0 : index
      %swap3A_533 = arith.constant 0 : index
      %swap3A_534 = vector.load %arg9[%swap3A_531, %swap3A_532, %swap3A_533] : memref<4x512x256xbf16, #tpu.memory_space<vmem>>, vector<1x512x256xbf16>
      %swap3A_535 = vector.shape_cast %swap3A_534 : vector<1x512x256xbf16> to vector<512x256xbf16>
      %swap3A_536 = vector.shape_cast %convert_element_type3A_530 : vector<512x256xbf16> to vector<1x512x256xbf16>
      tpu.vector_store %arg9[%swap3A_531, %swap3A_532, %swap3A_533], %swap3A_536 {strides = array<i32>} : memref<4x512x256xbf16, #tpu.memory_space<vmem>>, vector<1x512x256xbf16>,
      %convert_element_type3A_537 = arith.truncf %bitcast_convert_type3A_529 : vector<512x256xf32> to vector<512x256xbf16>
      %swap3A_538 = arith.constant 0 : index
      %swap3A_539 = arith.constant 0 : index
      %swap3A_540 = arith.constant 0 : index
      %swap3A_541 = vector.load %arg10[%swap3A_538, %swap3A_539, %swap3A_540] : memref<4x512x256xbf16, #tpu.memory_space<vmem>>, vector<1x512x256xbf16>
      %swap3A_542 = vector.shape_cast %swap3A_541 : vector<1x512x256xbf16> to vector<512x256xbf16>
      %swap3A_543 = vector.shape_cast %convert_element_type3A_537 : vector<512x256xbf16> to vector<1x512x256xbf16>
      tpu.vector_store %arg10[%swap3A_538, %swap3A_539, %swap3A_540], %swap3A_543 {strides = array<i32>} : memref<4x512x256xbf16, #tpu.memory_space<vmem>>, vector<1x512x256xbf16>,
      %sub3A_544 = arith.subf %sub3A_524, %bitcast_convert_type3A_529 : vector<512x256xf32>
      %convert_element_type3A_545 = arith.truncf %sub3A_544 : vector<512x256xf32> to vector<512x256xbf16>
      %swap3A_546 = arith.constant 0 : index
      %swap3A_547 = arith.constant 0 : index
      %swap3A_548 = arith.constant 0 : index
      %swap3A_549 = vector.load %arg11[%swap3A_546, %swap3A_547, %swap3A_548] : memref<4x512x256xbf16, #tpu.memory_space<vmem>>, vector<1x512x256xbf16>
      %swap3A_550 = vector.shape_cast %swap3A_549 : vector<1x512x256xbf16> to vector<512x256xbf16>
      %swap3A_551 = vector.shape_cast %convert_element_type3A_545 : vector<512x256xbf16> to vector<1x512x256xbf16>
      tpu.vector_store %arg11[%swap3A_546, %swap3A_547, %swap3A_548], %swap3A_551 {strides = array<i32>} : memref<4x512x256xbf16, #tpu.memory_space<vmem>>, vector<1x512x256xbf16>,
      %get3A_552 = arith.constant 1 : index
      %get3A_553 = arith.constant 0 : index
      %get3A_554 = arith.constant 0 : index
      %get3A_555 = vector.load %arg2[%get3A_552, %get3A_553, %get3A_554] : memref<4x512x256xf32, #tpu.memory_space<vmem>>, vector<1x512x256xf32>
      %get3A_556 = vector.shape_cast %get3A_555 : vector<1x512x256xf32> to vector<512x256xf32>
      %transpose3A_557 = tpu.transpose %get3A_556, [1, 0] : vector<512x256xf32> -> vector<256x512xf32>
      %swap3A_558 = arith.constant 1 : index
      %swap3A_559 = arith.constant 0 : index
      %swap3A_560 = arith.constant 0 : index
      %swap3A_561 = vector.load %arg8[%swap3A_558, %swap3A_559, %swap3A_560] : memref<4x256x512xf32, #tpu.memory_space<vmem>>, vector<1x256x512xf32>
      %swap3A_562 = vector.shape_cast %swap3A_561 : vector<1x256x512xf32> to vector<256x512xf32>
      %swap3A_563 = vector.shape_cast %transpose3A_557 : vector<256x512xf32> to vector<1x256x512xf32>
      tpu.vector_store %arg8[%swap3A_558, %swap3A_559, %swap3A_560], %swap3A_563 {strides = array<i32>} : memref<4x256x512xf32, #tpu.memory_space<vmem>>, vector<1x256x512xf32>,
      %mul3A_564 = arith.mulf %transpose3A_557, %transpose3A_557 : vector<256x512xf32>
      %reduce_sum3A_565 = arith.constant dense<0.000000e+00> : vector<512xf32>
      %reduce_sum3A_566 = vector.multi_reduction <add>, %mul3A_564, %reduce_sum3A_565 [0] : vector<256x512xf32> to vector<512xf32>
      %broadcast_in_dim3A_567 = vector.shape_cast %reduce_sum3A_566 : vector<512xf32> to vector<1x512xf32>
      %swap3A_568 = arith.constant 1 : index
      %swap3A_569 = arith.constant 0 : index
      %swap3A_570 = vector.load %arg14[%swap3A_568, %swap3A_569] : memref<8x512xf32, #tpu.memory_space<vmem>>, vector<1x512xf32>
      tpu.vector_store %arg14[%swap3A_568, %swap3A_569], %broadcast_in_dim3A_567 {strides = array<i32>} : memref<8x512xf32, #tpu.memory_space<vmem>>, vector<1x512xf32>,
      %bitcast_convert_type3A_571 = tpu.bitcast %get3A_556 : vector<512x256xf32> -> vector<512x256xi32>
      %and3A_572 = arith.constant -65536 : i32
      %and3A_573 = vector.broadcast %and3A_572 : i32 to vector<512x256xi32>
      %and3A_574 = arith.andi %bitcast_convert_type3A_571, %and3A_573 : vector<512x256xi32>
      %bitcast_convert_type3A_575 = tpu.bitcast %and3A_574 : vector<512x256xi32> -> vector<512x256xf32>
      %sub3A_576 = arith.subf %get3A_556, %bitcast_convert_type3A_575 : vector<512x256xf32>
      %bitcast_convert_type3A_577 = tpu.bitcast %sub3A_576 : vector<512x256xf32> -> vector<512x256xi32>
      %and3A_578 = arith.constant -65536 : i32
      %and3A_579 = vector.broadcast %and3A_578 : i32 to vector<512x256xi32>
      %and3A_580 = arith.andi %bitcast_convert_type3A_577, %and3A_579 : vector<512x256xi32>
      %bitcast_convert_type3A_581 = tpu.bitcast %and3A_580 : vector<512x256xi32> -> vector<512x256xf32>
      %convert_element_type3A_582 = arith.truncf %bitcast_convert_type3A_575 : vector<512x256xf32> to vector<512x256xbf16>
      %swap3A_583 = arith.constant 1 : index
      %swap3A_584 = arith.constant 0 : index
      %swap3A_585 = arith.constant 0 : index
      %swap3A_586 = vector.load %arg9[%swap3A_583, %swap3A_584, %swap3A_585] : memref<4x512x256xbf16, #tpu.memory_space<vmem>>, vector<1x512x256xbf16>
      %swap3A_587 = vector.shape_cast %swap3A_586 : vector<1x512x256xbf16> to vector<512x256xbf16>
      %swap3A_588 = vector.shape_cast %convert_element_type3A_582 : vector<512x256xbf16> to vector<1x512x256xbf16>
      tpu.vector_store %arg9[%swap3A_583, %swap3A_584, %swap3A_585], %swap3A_588 {strides = array<i32>} : memref<4x512x256xbf16, #tpu.memory_space<vmem>>, vector<1x512x256xbf16>,
      %convert_element_type3A_589 = arith.truncf %bitcast_convert_type3A_581 : vector<512x256xf32> to vector<512x256xbf16>
      %swap3A_590 = arith.constant 1 : index
      %swap3A_591 = arith.constant 0 : index
      %swap3A_592 = arith.constant 0 : index
      %swap3A_593 = vector.load %arg10[%swap3A_590, %swap3A_591, %swap3A_592] : memref<4x512x256xbf16, #tpu.memory_space<vmem>>, vector<1x512x256xbf16>
      %swap3A_594 = vector.shape_cast %swap3A_593 : vector<1x512x256xbf16> to vector<512x256xbf16>
      %swap3A_595 = vector.shape_cast %convert_element_type3A_589 : vector<512x256xbf16> to vector<1x512x256xbf16>
      tpu.vector_store %arg10[%swap3A_590, %swap3A_591, %swap3A_592], %swap3A_595 {strides = array<i32>} : memref<4x512x256xbf16, #tpu.memory_space<vmem>>, vector<1x512x256xbf16>,
      %sub3A_596 = arith.subf %sub3A_576, %bitcast_convert_type3A_581 : vector<512x256xf32>
      %convert_element_type3A_597 = arith.truncf %sub3A_596 : vector<512x256xf32> to vector<512x256xbf16>
      %swap3A_598 = arith.constant 1 : index
      %swap3A_599 = arith.constant 0 : index
      %swap3A_600 = arith.constant 0 : index
      %swap3A_601 = vector.load %arg11[%swap3A_598, %swap3A_599, %swap3A_600] : memref<4x512x256xbf16, #tpu.memory_space<vmem>>, vector<1x512x256xbf16>
      %swap3A_602 = vector.shape_cast %swap3A_601 : vector<1x512x256xbf16> to vector<512x256xbf16>
      %swap3A_603 = vector.shape_cast %convert_element_type3A_597 : vector<512x256xbf16> to vector<1x512x256xbf16>
      tpu.vector_store %arg11[%swap3A_598, %swap3A_599, %swap3A_600], %swap3A_603 {strides = array<i32>} : memref<4x512x256xbf16, #tpu.memory_space<vmem>>, vector<1x512x256xbf16>,
      %get3A_604 = arith.constant 2 : index
      %get3A_605 = arith.constant 0 : index
      %get3A_606 = arith.constant 0 : index
      %get3A_607 = vector.load %arg2[%get3A_604, %get3A_605, %get3A_606] : memref<4x512x256xf32, #tpu.memory_space<vmem>>, vector<1x512x256xf32>
      %get3A_608 = vector.shape_cast %get3A_607 : vector<1x512x256xf32> to vector<512x256xf32>
      %transpose3A_609 = tpu.transpose %get3A_608, [1, 0] : vector<512x256xf32> -> vector<256x512xf32>
      %swap3A_610 = arith.constant 2 : index
      %swap3A_611 = arith.constant 0 : index
      %swap3A_612 = arith.constant 0 : index
      %swap3A_613 = vector.load %arg8[%swap3A_610, %swap3A_611, %swap3A_612] : memref<4x256x512xf32, #tpu.memory_space<vmem>>, vector<1x256x512xf32>
      %swap3A_614 = vector.shape_cast %swap3A_613 : vector<1x256x512xf32> to vector<256x512xf32>
      %swap3A_615 = vector.shape_cast %transpose3A_609 : vector<256x512xf32> to vector<1x256x512xf32>
      tpu.vector_store %arg8[%swap3A_610, %swap3A_611, %swap3A_612], %swap3A_615 {strides = array<i32>} : memref<4x256x512xf32, #tpu.memory_space<vmem>>, vector<1x256x512xf32>,
      %mul3A_616 = arith.mulf %transpose3A_609, %transpose3A_609 : vector<256x512xf32>
      %reduce_sum3A_617 = arith.constant dense<0.000000e+00> : vector<512xf32>
      %reduce_sum3A_618 = vector.multi_reduction <add>, %mul3A_616, %reduce_sum3A_617 [0] : vector<256x512xf32> to vector<512xf32>
      %broadcast_in_dim3A_619 = vector.shape_cast %reduce_sum3A_618 : vector<512xf32> to vector<1x512xf32>
      %swap3A_620 = arith.constant 2 : index
      %swap3A_621 = arith.constant 0 : index
      %swap3A_622 = vector.load %arg14[%swap3A_620, %swap3A_621] : memref<8x512xf32, #tpu.memory_space<vmem>>, vector<1x512xf32>
      tpu.vector_store %arg14[%swap3A_620, %swap3A_621], %broadcast_in_dim3A_619 {strides = array<i32>} : memref<8x512xf32, #tpu.memory_space<vmem>>, vector<1x512xf32>,
      %bitcast_convert_type3A_623 = tpu.bitcast %get3A_608 : vector<512x256xf32> -> vector<512x256xi32>
      %and3A_624 = arith.constant -65536 : i32
      %and3A_625 = vector.broadcast %and3A_624 : i32 to vector<512x256xi32>
      %and3A_626 = arith.andi %bitcast_convert_type3A_623, %and3A_625 : vector<512x256xi32>
      %bitcast_convert_type3A_627 = tpu.bitcast %and3A_626 : vector<512x256xi32> -> vector<512x256xf32>
      %sub3A_628 = arith.subf %get3A_608, %bitcast_convert_type3A_627 : vector<512x256xf32>
      %bitcast_convert_type3A_629 = tpu.bitcast %sub3A_628 : vector<512x256xf32> -> vector<512x256xi32>
      %and3A_630 = arith.constant -65536 : i32
      %and3A_631 = vector.broadcast %and3A_630 : i32 to vector<512x256xi32>
      %and3A_632 = arith.andi %bitcast_convert_type3A_629, %and3A_631 : vector<512x256xi32>
      %bitcast_convert_type3A_633 = tpu.bitcast %and3A_632 : vector<512x256xi32> -> vector<512x256xf32>
      %convert_element_type3A_634 = arith.truncf %bitcast_convert_type3A_627 : vector<512x256xf32> to vector<512x256xbf16>
      %swap3A_635 = arith.constant 2 : index
      %swap3A_636 = arith.constant 0 : index
      %swap3A_637 = arith.constant 0 : index
      %swap3A_638 = vector.load %arg9[%swap3A_635, %swap3A_636, %swap3A_637] : memref<4x512x256xbf16, #tpu.memory_space<vmem>>, vector<1x512x256xbf16>
      %swap3A_639 = vector.shape_cast %swap3A_638 : vector<1x512x256xbf16> to vector<512x256xbf16>
      %swap3A_640 = vector.shape_cast %convert_element_type3A_634 : vector<512x256xbf16> to vector<1x512x256xbf16>
      tpu.vector_store %arg9[%swap3A_635, %swap3A_636, %swap3A_637], %swap3A_640 {strides = array<i32>} : memref<4x512x256xbf16, #tpu.memory_space<vmem>>, vector<1x512x256xbf16>,
      %convert_element_type3A_641 = arith.truncf %bitcast_convert_type3A_633 : vector<512x256xf32> to vector<512x256xbf16>
      %swap3A_642 = arith.constant 2 : index
      %swap3A_643 = arith.constant 0 : index
      %swap3A_644 = arith.constant 0 : index
      %swap3A_645 = vector.load %arg10[%swap3A_642, %swap3A_643, %swap3A_644] : memref<4x512x256xbf16, #tpu.memory_space<vmem>>, vector<1x512x256xbf16>
      %swap3A_646 = vector.shape_cast %swap3A_645 : vector<1x512x256xbf16> to vector<512x256xbf16>
      %swap3A_647 = vector.shape_cast %convert_element_type3A_641 : vector<512x256xbf16> to vector<1x512x256xbf16>
      tpu.vector_store %arg10[%swap3A_642, %swap3A_643, %swap3A_644], %swap3A_647 {strides = array<i32>} : memref<4x512x256xbf16, #tpu.memory_space<vmem>>, vector<1x512x256xbf16>,
      %sub3A_648 = arith.subf %sub3A_628, %bitcast_convert_type3A_633 : vector<512x256xf32>
      %convert_element_type3A_649 = arith.truncf %sub3A_648 : vector<512x256xf32> to vector<512x256xbf16>
      %swap3A_650 = arith.constant 2 : index
      %swap3A_651 = arith.constant 0 : index
      %swap3A_652 = arith.constant 0 : index
      %swap3A_653 = vector.load %arg11[%swap3A_650, %swap3A_651, %swap3A_652] : memref<4x512x256xbf16, #tpu.memory_space<vmem>>, vector<1x512x256xbf16>
      %swap3A_654 = vector.shape_cast %swap3A_653 : vector<1x512x256xbf16> to vector<512x256xbf16>
      %swap3A_655 = vector.shape_cast %convert_element_type3A_649 : vector<512x256xbf16> to vector<1x512x256xbf16>
      tpu.vector_store %arg11[%swap3A_650, %swap3A_651, %swap3A_652], %swap3A_655 {strides = array<i32>} : memref<4x512x256xbf16, #tpu.memory_space<vmem>>, vector<1x512x256xbf16>,
      %get3A_656 = arith.constant 3 : index
      %get3A_657 = arith.constant 0 : index
      %get3A_658 = arith.constant 0 : index
      %get3A_659 = vector.load %arg2[%get3A_656, %get3A_657, %get3A_658] : memref<4x512x256xf32, #tpu.memory_space<vmem>>, vector<1x512x256xf32>
      %get3A_660 = vector.shape_cast %get3A_659 : vector<1x512x256xf32> to vector<512x256xf32>
      %transpose3A_661 = tpu.transpose %get3A_660, [1, 0] : vector<512x256xf32> -> vector<256x512xf32>
      %swap3A_662 = arith.constant 3 : index
      %swap3A_663 = arith.constant 0 : index
      %swap3A_664 = arith.constant 0 : index
      %swap3A_665 = vector.load %arg8[%swap3A_662, %swap3A_663, %swap3A_664] : memref<4x256x512xf32, #tpu.memory_space<vmem>>, vector<1x256x512xf32>
      %swap3A_666 = vector.shape_cast %swap3A_665 : vector<1x256x512xf32> to vector<256x512xf32>
      %swap3A_667 = vector.shape_cast %transpose3A_661 : vector<256x512xf32> to vector<1x256x512xf32>
      tpu.vector_store %arg8[%swap3A_662, %swap3A_663, %swap3A_664], %swap3A_667 {strides = array<i32>} : memref<4x256x512xf32, #tpu.memory_space<vmem>>, vector<1x256x512xf32>,
      %mul3A_668 = arith.mulf %transpose3A_661, %transpose3A_661 : vector<256x512xf32>
      %reduce_sum3A_669 = arith.constant dense<0.000000e+00> : vector<512xf32>
      %reduce_sum3A_670 = vector.multi_reduction <add>, %mul3A_668, %reduce_sum3A_669 [0] : vector<256x512xf32> to vector<512xf32>
      %broadcast_in_dim3A_671 = vector.shape_cast %reduce_sum3A_670 : vector<512xf32> to vector<1x512xf32>
      %swap3A_672 = arith.constant 3 : index
      %swap3A_673 = arith.constant 0 : index
      %swap3A_674 = vector.load %arg14[%swap3A_672, %swap3A_673] : memref<8x512xf32, #tpu.memory_space<vmem>>, vector<1x512xf32>
      tpu.vector_store %arg14[%swap3A_672, %swap3A_673], %broadcast_in_dim3A_671 {strides = array<i32>} : memref<8x512xf32, #tpu.memory_space<vmem>>, vector<1x512xf32>,
      %bitcast_convert_type3A_675 = tpu.bitcast %get3A_660 : vector<512x256xf32> -> vector<512x256xi32>
      %and3A_676 = arith.constant -65536 : i32
      %and3A_677 = vector.broadcast %and3A_676 : i32 to vector<512x256xi32>
      %and3A_678 = arith.andi %bitcast_convert_type3A_675, %and3A_677 : vector<512x256xi32>
      %bitcast_convert_type3A_679 = tpu.bitcast %and3A_678 : vector<512x256xi32> -> vector<512x256xf32>
      %sub3A_680 = arith.subf %get3A_660, %bitcast_convert_type3A_679 : vector<512x256xf32>
      %bitcast_convert_type3A_681 = tpu.bitcast %sub3A_680 : vector<512x256xf32> -> vector<512x256xi32>
      %and3A_682 = arith.constant -65536 : i32
      %and3A_683 = vector.broadcast %and3A_682 : i32 to vector<512x256xi32>
      %and3A_684 = arith.andi %bitcast_convert_type3A_681, %and3A_683 : vector<512x256xi32>
      %bitcast_convert_type3A_685 = tpu.bitcast %and3A_684 : vector<512x256xi32> -> vector<512x256xf32>
      %convert_element_type3A_686 = arith.truncf %bitcast_convert_type3A_679 : vector<512x256xf32> to vector<512x256xbf16>
      %swap3A_687 = arith.constant 3 : index
      %swap3A_688 = arith.constant 0 : index
      %swap3A_689 = arith.constant 0 : index
      %swap3A_690 = vector.load %arg9[%swap3A_687, %swap3A_688, %swap3A_689] : memref<4x512x256xbf16, #tpu.memory_space<vmem>>, vector<1x512x256xbf16>
      %swap3A_691 = vector.shape_cast %swap3A_690 : vector<1x512x256xbf16> to vector<512x256xbf16>
      %swap3A_692 = vector.shape_cast %convert_element_type3A_686 : vector<512x256xbf16> to vector<1x512x256xbf16>
      tpu.vector_store %arg9[%swap3A_687, %swap3A_688, %swap3A_689], %swap3A_692 {strides = array<i32>} : memref<4x512x256xbf16, #tpu.memory_space<vmem>>, vector<1x512x256xbf16>,
      %convert_element_type3A_693 = arith.truncf %bitcast_convert_type3A_685 : vector<512x256xf32> to vector<512x256xbf16>
      %swap3A_694 = arith.constant 3 : index
      %swap3A_695 = arith.constant 0 : index
      %swap3A_696 = arith.constant 0 : index
      %swap3A_697 = vector.load %arg10[%swap3A_694, %swap3A_695, %swap3A_696] : memref<4x512x256xbf16, #tpu.memory_space<vmem>>, vector<1x512x256xbf16>
      %swap3A_698 = vector.shape_cast %swap3A_697 : vector<1x512x256xbf16> to vector<512x256xbf16>
      %swap3A_699 = vector.shape_cast %convert_element_type3A_693 : vector<512x256xbf16> to vector<1x512x256xbf16>
      tpu.vector_store %arg10[%swap3A_694, %swap3A_695, %swap3A_696], %swap3A_699 {strides = array<i32>} : memref<4x512x256xbf16, #tpu.memory_space<vmem>>, vector<1x512x256xbf16>,
      %sub3A_700 = arith.subf %sub3A_680, %bitcast_convert_type3A_685 : vector<512x256xf32>
      %convert_element_type3A_701 = arith.truncf %sub3A_700 : vector<512x256xf32> to vector<512x256xbf16>
      %swap3A_702 = arith.constant 3 : index
      %swap3A_703 = arith.constant 0 : index
      %swap3A_704 = arith.constant 0 : index
      %swap3A_705 = vector.load %arg11[%swap3A_702, %swap3A_703, %swap3A_704] : memref<4x512x256xbf16, #tpu.memory_space<vmem>>, vector<1x512x256xbf16>
      %swap3A_706 = vector.shape_cast %swap3A_705 : vector<1x512x256xbf16> to vector<512x256xbf16>
      %swap3A_707 = vector.shape_cast %convert_element_type3A_701 : vector<512x256xbf16> to vector<1x512x256xbf16>
      tpu.vector_store %arg11[%swap3A_702, %swap3A_703, %swap3A_704], %swap3A_707 {strides = array<i32>} : memref<4x512x256xbf16, #tpu.memory_space<vmem>>, vector<1x512x256xbf16>,
      %convert_element_type3A_708 = arith.truncf %bitcast_convert_type3A_679 : vector<512x256xf32> to vector<512x256xbf16>
      %convert_element_type3A_709 = arith.truncf %transpose3A : vector<256x256xf32> to vector<256x256xbf16>
      %dot_general3A_710 = arith.constant dense<0.000000e+00> : vector<512x256xf32>
      %dot_general3A_711 = tpu.matmul %convert_element_type3A_708, %convert_element_type3A_709, %dot_general3A_710 {dimension_numbers = #tpu.dot_dimension_numbers<[1], [0], [0], [1], [0, 0, 1, 1], [], []>, transpose_lhs_hint = false} : vector<512x256xbf16>, vector<256x256xbf16>, vector<512x256xf32> -> vector<512x256xf32>
      %convert_element_type3A_712 = arith.truncf %dot_general3A_711 : vector<512x256xf32> to vector<512x256xbf16>
      %swap3A_713 = arith.constant 0 : index
      %swap3A_714 = arith.constant 0 : index
      %swap3A_715 = vector.load %arg13[%swap3A_713, %swap3A_714] : memref<512x256xbf16, #tpu.memory_space<vmem>>, vector<512x256xbf16>
      tpu.vector_store %arg13[%swap3A_713, %swap3A_714], %convert_element_type3A_712 {strides = array<i32>} : memref<512x256xbf16, #tpu.memory_space<vmem>>, vector<512x256xbf16>,
    } else {
    }
    %iota3A = tpu.iota {dimensions = array<i32: 1>} : vector<1024x512xi32>
    %get3A = arith.constant 0 : index
    %get3A_2 = arith.constant 0 : index
    %get3A_3 = vector.load %arg1[%get3A, %get3A_2] : memref<2048x256xf32, #tpu.memory_space<vmem>>, vector<1024x256xf32>
    %get3A_4 = arith.constant 1024 : index
    %get3A_5 = arith.constant 0 : index
    %get3A_6 = vector.load %arg1[%get3A_4, %get3A_5] : memref<2048x256xf32, #tpu.memory_space<vmem>>, vector<1024x256xf32>
    %broadcast_in_dim3A = arith.constant 0.000000e+00 : f32
    %broadcast_in_dim3A_7 = vector.broadcast %broadcast_in_dim3A : f32 to vector<1024x256xf32>
    %broadcast_in_dim3A_8 = arith.constant 0.000000e+00 : f32
    %broadcast_in_dim3A_9 = vector.broadcast %broadcast_in_dim3A_8 : f32 to vector<1024x256xf32>
    %get3A_10 = arith.constant 0 : index
    %get3A_11 = arith.constant 0 : index
    %get3A_12 = arith.constant 0 : index
    %get3A_13 = vector.load %arg8[%get3A_10, %get3A_11, %get3A_12] : memref<4x256x512xf32, #tpu.memory_space<vmem>>, vector<1x256x512xf32>
    %get3A_14 = vector.shape_cast %get3A_13 : vector<1x256x512xf32> to vector<256x512xf32>
    %get3A_15 = arith.constant 0 : index
    %get3A_16 = arith.constant 0 : index
    %get3A_17 = vector.load %arg14[%get3A_15, %get3A_16] : memref<8x512xf32, #tpu.memory_space<vmem>>, vector<1x512xf32>
    %mul3A = arith.mulf %get3A_3, %get3A_3 : vector<1024x256xf32>
    %reduce_sum3A = arith.constant dense<0.000000e+00> : vector<1024xf32>
    %reduce_sum3A_18 = vector.multi_reduction <add>, %mul3A, %reduce_sum3A [1] : vector<1024x256xf32> to vector<1024xf32>
    %broadcast_in_dim3A_19 = vector.shape_cast %reduce_sum3A_18 : vector<1024xf32> to vector<1024x1xf32>
    %dot_general3A = arith.constant dense<0.000000e+00> : vector<1024x512xf32>
    %dot_general3A_20 = tpu.matmul %get3A_3, %get3A_14, %dot_general3A {dimension_numbers = #tpu.dot_dimension_numbers<[1], [0], [0], [1], [0, 0, 1, 1], [], []>, transpose_lhs_hint = false} : vector<1024x256xf32>, vector<256x512xf32>, vector<1024x512xf32> -> vector<1024x512xf32>
    %mul3A_21 = arith.constant 2.000000e+00 : f32
    %mul3A_22 = vector.broadcast %mul3A_21 : f32 to vector<1024x512xf32>
    %mul3A_23 = arith.mulf %mul3A_22, %dot_general3A_20 : vector<1024x512xf32>
    %sub3A = vector.broadcast %broadcast_in_dim3A_19 : vector<1024x1xf32> to vector<1024x512xf32>
    %sub3A_24 = arith.subf %sub3A, %mul3A_23 : vector<1024x512xf32>
    %add3A = vector.broadcast %get3A_17 : vector<1x512xf32> to vector<1024x512xf32>
    %add3A_25 = arith.addf %sub3A_24, %add3A : vector<1024x512xf32>
    %reduce_min3A = arith.constant dense<0x7F800000> : vector<1024xf32>
    %reduce_min3A_26 = vector.multi_reduction <minimumf>, %add3A_25, %reduce_min3A [1] : vector<1024x512xf32> to vector<1024xf32>
    %broadcast_in_dim3A_27 = vector.shape_cast %reduce_min3A_26 : vector<1024xf32> to vector<1024x1xf32>
    %eq3A_28 = vector.broadcast %broadcast_in_dim3A_27 : vector<1024x1xf32> to vector<1024x512xf32>
    %eq3A_29 = arith.cmpf oeq, %add3A_25, %eq3A_28 : vector<1024x512xf32>
    %jit3A = arith.constant 512 : i32
    %broadcast_in_dim3A_30 = vector.broadcast %jit3A : i32 to vector<1024x512xi32>
    %select_n3A = arith.select %eq3A_29, %iota3A, %broadcast_in_dim3A_30 : vector<1024x512xi1>, vector<1024x512xi32>
    %reduce_min3A_31 = arith.constant dense<2147483647> : vector<1024xi32>
    %reduce_min3A_32 = vector.multi_reduction <minsi>, %select_n3A, %reduce_min3A_31 [1] : vector<1024x512xi32> to vector<1024xi32>
    %broadcast_in_dim3A_33 = vector.shape_cast %reduce_min3A_32 : vector<1024xi32> to vector<1024x1xi32>
    %eq3A_34 = vector.broadcast %broadcast_in_dim3A_33 : vector<1024x1xi32> to vector<1024x512xi32>
    %eq3A_35 = arith.cmpi eq, %iota3A, %eq3A_34 : vector<1024x512xi32>
    %convert_element_type3A_36 = arith.extui %eq3A_35 : vector<1024x512xi1> to vector<1024x512xi32>
    %convert_element_type3A_37 = arith.sitofp %convert_element_type3A_36 : vector<1024x512xi32> to vector<1024x512xf32>
    %convert_element_type3A_38 = arith.truncf %convert_element_type3A_37 : vector<1024x512xf32> to vector<1024x512xbf16>
    %get3A_39 = arith.constant 0 : index
    %get3A_40 = arith.constant 0 : index
    %get3A_41 = arith.constant 0 : index
    %get3A_42 = vector.load %arg9[%get3A_39, %get3A_40, %get3A_41] : memref<4x512x256xbf16, #tpu.memory_space<vmem>>, vector<1x512x256xbf16>
    %get3A_43 = vector.shape_cast %get3A_42 : vector<1x512x256xbf16> to vector<512x256xbf16>
    %dot_general3A_44 = arith.constant dense<0.000000e+00> : vector<1024x256xf32>
    %dot_general3A_45 = tpu.matmul %convert_element_type3A_38, %get3A_43, %dot_general3A_44 {dimension_numbers = #tpu.dot_dimension_numbers<[1], [0], [0], [1], [0, 0, 1, 1], [], []>, transpose_lhs_hint = false} : vector<1024x512xbf16>, vector<512x256xbf16>, vector<1024x256xf32> -> vector<1024x256xf32>
    %get3A_46 = arith.constant 0 : index
    %get3A_47 = arith.constant 0 : index
    %get3A_48 = arith.constant 0 : index
    %get3A_49 = vector.load %arg10[%get3A_46, %get3A_47, %get3A_48] : memref<4x512x256xbf16, #tpu.memory_space<vmem>>, vector<1x512x256xbf16>
    %get3A_50 = vector.shape_cast %get3A_49 : vector<1x512x256xbf16> to vector<512x256xbf16>
    %dot_general3A_51 = arith.constant dense<0.000000e+00> : vector<1024x256xf32>
    %dot_general3A_52 = tpu.matmul %convert_element_type3A_38, %get3A_50, %dot_general3A_51 {dimension_numbers = #tpu.dot_dimension_numbers<[1], [0], [0], [1], [0, 0, 1, 1], [], []>, transpose_lhs_hint = false} : vector<1024x512xbf16>, vector<512x256xbf16>, vector<1024x256xf32> -> vector<1024x256xf32>
    %add3A_53 = arith.addf %dot_general3A_45, %dot_general3A_52 : vector<1024x256xf32>
    %get3A_54 = arith.constant 0 : index
    %get3A_55 = arith.constant 0 : index
    %get3A_56 = arith.constant 0 : index
    %get3A_57 = vector.load %arg11[%get3A_54, %get3A_55, %get3A_56] : memref<4x512x256xbf16, #tpu.memory_space<vmem>>, vector<1x512x256xbf16>
    %get3A_58 = vector.shape_cast %get3A_57 : vector<1x512x256xbf16> to vector<512x256xbf16>
    %dot_general3A_59 = arith.constant dense<0.000000e+00> : vector<1024x256xf32>
    %dot_general3A_60 = tpu.matmul %convert_element_type3A_38, %get3A_58, %dot_general3A_59 {dimension_numbers = #tpu.dot_dimension_numbers<[1], [0], [0], [1], [0, 0, 1, 1], [], []>, transpose_lhs_hint = false} : vector<1024x512xbf16>, vector<512x256xbf16>, vector<1024x256xf32> -> vector<1024x256xf32>
    %add3A_61 = arith.addf %add3A_53, %dot_general3A_60 : vector<1024x256xf32>
    %swap3A = arith.constant 0 : index
    %swap3A_62 = arith.constant 0 : index
    %swap3A_63 = vector.load %arg6[%swap3A, %swap3A_62] : memref<2048x1xi32, #tpu.memory_space<vmem>>, vector<1024x1xi32>
    tpu.vector_store %arg6[%swap3A, %swap3A_62], %broadcast_in_dim3A_33 {strides = array<i32>} : memref<2048x1xi32, #tpu.memory_space<vmem>>, vector<1024x1xi32>,
    %sub3A_64 = arith.subf %get3A_3, %add3A_61 : vector<1024x256xf32>
    %integer_pow3A = arith.mulf %sub3A_64, %sub3A_64 : vector<1024x256xf32>
    %reduce_sum3A_65 = vector.shape_cast %integer_pow3A : vector<1024x256xf32> to vector<1x1024x256xf32>
    %reduce_sum3A_66 = arith.constant dense<0.000000e+00> : vector<1xf32>
    %reduce_sum3A_67 = vector.multi_reduction <add>, %reduce_sum3A_65, %reduce_sum3A_66 [1, 2] : vector<1x1024x256xf32> to vector<1xf32>
    %reduce_sum3A_68 = vector.shape_cast %reduce_sum3A_67 : vector<1xf32> to vector<1x1x1xf32>
    %reduce_sum3A_69 = vector.extract %reduce_sum3A_68[0, 0, 0] : f32 from vector<1x1x1xf32>
    %sub3A_70 = arith.subf %add3A_61, %get3A_3 : vector<1024x256xf32>
    %add3A_71 = arith.addf %get3A_3, %sub3A_70 : vector<1024x256xf32>
    %sub3A_72 = arith.subf %get3A_3, %add3A_71 : vector<1024x256xf32>
    %add3A_73 = arith.addf %broadcast_in_dim3A_7, %add3A_71 : vector<1024x256xf32>
    %mul3A_74 = arith.mulf %get3A_6, %get3A_6 : vector<1024x256xf32>
    %reduce_sum3A_75 = arith.constant dense<0.000000e+00> : vector<1024xf32>
    %reduce_sum3A_76 = vector.multi_reduction <add>, %mul3A_74, %reduce_sum3A_75 [1] : vector<1024x256xf32> to vector<1024xf32>
    %broadcast_in_dim3A_77 = vector.shape_cast %reduce_sum3A_76 : vector<1024xf32> to vector<1024x1xf32>
    %dot_general3A_78 = arith.constant dense<0.000000e+00> : vector<1024x512xf32>
    %dot_general3A_79 = tpu.matmul %get3A_6, %get3A_14, %dot_general3A_78 {dimension_numbers = #tpu.dot_dimension_numbers<[1], [0], [0], [1], [0, 0, 1, 1], [], []>, transpose_lhs_hint = false} : vector<1024x256xf32>, vector<256x512xf32>, vector<1024x512xf32> -> vector<1024x512xf32>
    %mul3A_80 = arith.constant 2.000000e+00 : f32
    %mul3A_81 = vector.broadcast %mul3A_80 : f32 to vector<1024x512xf32>
    %mul3A_82 = arith.mulf %mul3A_81, %dot_general3A_79 : vector<1024x512xf32>
    %sub3A_83 = vector.broadcast %broadcast_in_dim3A_77 : vector<1024x1xf32> to vector<1024x512xf32>
    %sub3A_84 = arith.subf %sub3A_83, %mul3A_82 : vector<1024x512xf32>
    %add3A_85 = vector.broadcast %get3A_17 : vector<1x512xf32> to vector<1024x512xf32>
    %add3A_86 = arith.addf %sub3A_84, %add3A_85 : vector<1024x512xf32>
    %reduce_min3A_87 = arith.constant dense<0x7F800000> : vector<1024xf32>
    %reduce_min3A_88 = vector.multi_reduction <minimumf>, %add3A_86, %reduce_min3A_87 [1] : vector<1024x512xf32> to vector<1024xf32>
    %broadcast_in_dim3A_89 = vector.shape_cast %reduce_min3A_88 : vector<1024xf32> to vector<1024x1xf32>
    %eq3A_90 = vector.broadcast %broadcast_in_dim3A_89 : vector<1024x1xf32> to vector<1024x512xf32>
    %eq3A_91 = arith.cmpf oeq, %add3A_86, %eq3A_90 : vector<1024x512xf32>
    %jit3A_92 = arith.constant 512 : i32
    %broadcast_in_dim3A_93 = vector.broadcast %jit3A_92 : i32 to vector<1024x512xi32>
    %select_n3A_94 = arith.select %eq3A_91, %iota3A, %broadcast_in_dim3A_93 : vector<1024x512xi1>, vector<1024x512xi32>
    %reduce_min3A_95 = arith.constant dense<2147483647> : vector<1024xi32>
    %reduce_min3A_96 = vector.multi_reduction <minsi>, %select_n3A_94, %reduce_min3A_95 [1] : vector<1024x512xi32> to vector<1024xi32>
    %broadcast_in_dim3A_97 = vector.shape_cast %reduce_min3A_96 : vector<1024xi32> to vector<1024x1xi32>
    %eq3A_98 = vector.broadcast %broadcast_in_dim3A_97 : vector<1024x1xi32> to vector<1024x512xi32>
    %eq3A_99 = arith.cmpi eq, %iota3A, %eq3A_98 : vector<1024x512xi32>
    %convert_element_type3A_100 = arith.extui %eq3A_99 : vector<1024x512xi1> to vector<1024x512xi32>
    %convert_element_type3A_101 = arith.sitofp %convert_element_type3A_100 : vector<1024x512xi32> to vector<1024x512xf32>
    %convert_element_type3A_102 = arith.truncf %convert_element_type3A_101 : vector<1024x512xf32> to vector<1024x512xbf16>
    %get3A_103 = arith.constant 0 : index
    %get3A_104 = arith.constant 0 : index
    %get3A_105 = arith.constant 0 : index
    %get3A_106 = vector.load %arg9[%get3A_103, %get3A_104, %get3A_105] : memref<4x512x256xbf16, #tpu.memory_space<vmem>>, vector<1x512x256xbf16>
    %get3A_107 = vector.shape_cast %get3A_106 : vector<1x512x256xbf16> to vector<512x256xbf16>
    %dot_general3A_108 = arith.constant dense<0.000000e+00> : vector<1024x256xf32>
    %dot_general3A_109 = tpu.matmul %convert_element_type3A_102, %get3A_107, %dot_general3A_108 {dimension_numbers = #tpu.dot_dimension_numbers<[1], [0], [0], [1], [0, 0, 1, 1], [], []>, transpose_lhs_hint = false} : vector<1024x512xbf16>, vector<512x256xbf16>, vector<1024x256xf32> -> vector<1024x256xf32>
    %get3A_110 = arith.constant 0 : index
    %get3A_111 = arith.constant 0 : index
    %get3A_112 = arith.constant 0 : index
    %get3A_113 = vector.load %arg10[%get3A_110, %get3A_111, %get3A_112] : memref<4x512x256xbf16, #tpu.memory_space<vmem>>, vector<1x512x256xbf16>
    %get3A_114 = vector.shape_cast %get3A_113 : vector<1x512x256xbf16> to vector<512x256xbf16>
    %dot_general3A_115 = arith.constant dense<0.000000e+00> : vector<1024x256xf32>
    %dot_general3A_116 = tpu.matmul %convert_element_type3A_102, %get3A_114, %dot_general3A_115 {dimension_numbers = #tpu.dot_dimension_numbers<[1], [0], [0], [1], [0, 0, 1, 1], [], []>, transpose_lhs_hint = false} : vector<1024x512xbf16>, vector<512x256xbf16>, vector<1024x256xf32> -> vector<1024x256xf32>
    %add3A_117 = arith.addf %dot_general3A_109, %dot_general3A_116 : vector<1024x256xf32>
    %get3A_118 = arith.constant 0 : index
    %get3A_119 = arith.constant 0 : index
    %get3A_120 = arith.constant 0 : index
    %get3A_121 = vector.load %arg11[%get3A_118, %get3A_119, %get3A_120] : memref<4x512x256xbf16, #tpu.memory_space<vmem>>, vector<1x512x256xbf16>
    %get3A_122 = vector.shape_cast %get3A_121 : vector<1x512x256xbf16> to vector<512x256xbf16>
    %dot_general3A_123 = arith.constant dense<0.000000e+00> : vector<1024x256xf32>
    %dot_general3A_124 = tpu.matmul %convert_element_type3A_102, %get3A_122, %dot_general3A_123 {dimension_numbers = #tpu.dot_dimension_numbers<[1], [0], [0], [1], [0, 0, 1, 1], [], []>, transpose_lhs_hint = false} : vector<1024x512xbf16>, vector<512x256xbf16>, vector<1024x256xf32> -> vector<1024x256xf32>
    %add3A_125 = arith.addf %add3A_117, %dot_general3A_124 : vector<1024x256xf32>
    %swap3A_126 = arith.constant 1024 : index
    %swap3A_127 = arith.constant 0 : index
    %swap3A_128 = vector.load %arg6[%swap3A_126, %swap3A_127] : memref<2048x1xi32, #tpu.memory_space<vmem>>, vector<1024x1xi32>
    tpu.vector_store %arg6[%swap3A_126, %swap3A_127], %broadcast_in_dim3A_97 {strides = array<i32>} : memref<2048x1xi32, #tpu.memory_space<vmem>>, vector<1024x1xi32>,
    %sub3A_129 = arith.subf %get3A_6, %add3A_125 : vector<1024x256xf32>
    %integer_pow3A_130 = arith.mulf %sub3A_129, %sub3A_129 : vector<1024x256xf32>
    %reduce_sum3A_131 = vector.shape_cast %integer_pow3A_130 : vector<1024x256xf32> to vector<1x1024x256xf32>
    %reduce_sum3A_132 = arith.constant dense<0.000000e+00> : vector<1xf32>
    %reduce_sum3A_133 = vector.multi_reduction <add>, %reduce_sum3A_131, %reduce_sum3A_132 [1, 2] : vector<1x1024x256xf32> to vector<1xf32>
    %reduce_sum3A_134 = vector.shape_cast %reduce_sum3A_133 : vector<1xf32> to vector<1x1x1xf32>
    %reduce_sum3A_135 = vector.extract %reduce_sum3A_134[0, 0, 0] : f32 from vector<1x1x1xf32>
    %sub3A_136 = arith.subf %add3A_125, %get3A_6 : vector<1024x256xf32>
    %add3A_137 = arith.addf %get3A_6, %sub3A_136 : vector<1024x256xf32>
    %sub3A_138 = arith.subf %get3A_6, %add3A_137 : vector<1024x256xf32>
    %add3A_139 = arith.addf %broadcast_in_dim3A_9, %add3A_137 : vector<1024x256xf32>
    %get3A_140 = arith.constant 1 : index
    %get3A_141 = arith.constant 0 : index
    %get3A_142 = arith.constant 0 : index
    %get3A_143 = vector.load %arg8[%get3A_140, %get3A_141, %get3A_142] : memref<4x256x512xf32, #tpu.memory_space<vmem>>, vector<1x256x512xf32>
    %get3A_144 = vector.shape_cast %get3A_143 : vector<1x256x512xf32> to vector<256x512xf32>
    %get3A_145 = arith.constant 1 : index
    %get3A_146 = arith.constant 0 : index
    %get3A_147 = vector.load %arg14[%get3A_145, %get3A_146] : memref<8x512xf32, #tpu.memory_space<vmem>>, vector<1x512xf32>
    %mul3A_148 = arith.mulf %sub3A_72, %sub3A_72 : vector<1024x256xf32>
    %reduce_sum3A_149 = arith.constant dense<0.000000e+00> : vector<1024xf32>
    %reduce_sum3A_150 = vector.multi_reduction <add>, %mul3A_148, %reduce_sum3A_149 [1] : vector<1024x256xf32> to vector<1024xf32>
    %broadcast_in_dim3A_151 = vector.shape_cast %reduce_sum3A_150 : vector<1024xf32> to vector<1024x1xf32>
    %dot_general3A_152 = arith.constant dense<0.000000e+00> : vector<1024x512xf32>
    %dot_general3A_153 = tpu.matmul %sub3A_72, %get3A_144, %dot_general3A_152 {dimension_numbers = #tpu.dot_dimension_numbers<[1], [0], [0], [1], [0, 0, 1, 1], [], []>, transpose_lhs_hint = false} : vector<1024x256xf32>, vector<256x512xf32>, vector<1024x512xf32> -> vector<1024x512xf32>
    %mul3A_154 = arith.constant 2.000000e+00 : f32
    %mul3A_155 = vector.broadcast %mul3A_154 : f32 to vector<1024x512xf32>
    %mul3A_156 = arith.mulf %mul3A_155, %dot_general3A_153 : vector<1024x512xf32>
    %sub3A_157 = vector.broadcast %broadcast_in_dim3A_151 : vector<1024x1xf32> to vector<1024x512xf32>
    %sub3A_158 = arith.subf %sub3A_157, %mul3A_156 : vector<1024x512xf32>
    %add3A_159 = vector.broadcast %get3A_147 : vector<1x512xf32> to vector<1024x512xf32>
    %add3A_160 = arith.addf %sub3A_158, %add3A_159 : vector<1024x512xf32>
    %reduce_min3A_161 = arith.constant dense<0x7F800000> : vector<1024xf32>
    %reduce_min3A_162 = vector.multi_reduction <minimumf>, %add3A_160, %reduce_min3A_161 [1] : vector<1024x512xf32> to vector<1024xf32>
    %broadcast_in_dim3A_163 = vector.shape_cast %reduce_min3A_162 : vector<1024xf32> to vector<1024x1xf32>
    %eq3A_164 = vector.broadcast %broadcast_in_dim3A_163 : vector<1024x1xf32> to vector<1024x512xf32>
    %eq3A_165 = arith.cmpf oeq, %add3A_160, %eq3A_164 : vector<1024x512xf32>
    %jit3A_166 = arith.constant 512 : i32
    %broadcast_in_dim3A_167 = vector.broadcast %jit3A_166 : i32 to vector<1024x512xi32>
    %select_n3A_168 = arith.select %eq3A_165, %iota3A, %broadcast_in_dim3A_167 : vector<1024x512xi1>, vector<1024x512xi32>
    %reduce_min3A_169 = arith.constant dense<2147483647> : vector<1024xi32>
    %reduce_min3A_170 = vector.multi_reduction <minsi>, %select_n3A_168, %reduce_min3A_169 [1] : vector<1024x512xi32> to vector<1024xi32>
    %broadcast_in_dim3A_171 = vector.shape_cast %reduce_min3A_170 : vector<1024xi32> to vector<1024x1xi32>
    %eq3A_172 = vector.broadcast %broadcast_in_dim3A_171 : vector<1024x1xi32> to vector<1024x512xi32>
    %eq3A_173 = arith.cmpi eq, %iota3A, %eq3A_172 : vector<1024x512xi32>
    %convert_element_type3A_174 = arith.extui %eq3A_173 : vector<1024x512xi1> to vector<1024x512xi32>
    %convert_element_type3A_175 = arith.sitofp %convert_element_type3A_174 : vector<1024x512xi32> to vector<1024x512xf32>
    %convert_element_type3A_176 = arith.truncf %convert_element_type3A_175 : vector<1024x512xf32> to vector<1024x512xbf16>
    %get3A_177 = arith.constant 1 : index
    %get3A_178 = arith.constant 0 : index
    %get3A_179 = arith.constant 0 : index
    %get3A_180 = vector.load %arg9[%get3A_177, %get3A_178, %get3A_179] : memref<4x512x256xbf16, #tpu.memory_space<vmem>>, vector<1x512x256xbf16>
    %get3A_181 = vector.shape_cast %get3A_180 : vector<1x512x256xbf16> to vector<512x256xbf16>
    %dot_general3A_182 = arith.constant dense<0.000000e+00> : vector<1024x256xf32>
    %dot_general3A_183 = tpu.matmul %convert_element_type3A_176, %get3A_181, %dot_general3A_182 {dimension_numbers = #tpu.dot_dimension_numbers<[1], [0], [0], [1], [0, 0, 1, 1], [], []>, transpose_lhs_hint = false} : vector<1024x512xbf16>, vector<512x256xbf16>, vector<1024x256xf32> -> vector<1024x256xf32>
    %get3A_184 = arith.constant 1 : index
    %get3A_185 = arith.constant 0 : index
    %get3A_186 = arith.constant 0 : index
    %get3A_187 = vector.load %arg10[%get3A_184, %get3A_185, %get3A_186] : memref<4x512x256xbf16, #tpu.memory_space<vmem>>, vector<1x512x256xbf16>
    %get3A_188 = vector.shape_cast %get3A_187 : vector<1x512x256xbf16> to vector<512x256xbf16>
    %dot_general3A_189 = arith.constant dense<0.000000e+00> : vector<1024x256xf32>
    %dot_general3A_190 = tpu.matmul %convert_element_type3A_176, %get3A_188, %dot_general3A_189 {dimension_numbers = #tpu.dot_dimension_numbers<[1], [0], [0], [1], [0, 0, 1, 1], [], []>, transpose_lhs_hint = false} : vector<1024x512xbf16>, vector<512x256xbf16>, vector<1024x256xf32> -> vector<1024x256xf32>
    %add3A_191 = arith.addf %dot_general3A_183, %dot_general3A_190 : vector<1024x256xf32>
    %get3A_192 = arith.constant 1 : index
    %get3A_193 = arith.constant 0 : index
    %get3A_194 = arith.constant 0 : index
    %get3A_195 = vector.load %arg11[%get3A_192, %get3A_193, %get3A_194] : memref<4x512x256xbf16, #tpu.memory_space<vmem>>, vector<1x512x256xbf16>
    %get3A_196 = vector.shape_cast %get3A_195 : vector<1x512x256xbf16> to vector<512x256xbf16>
    %dot_general3A_197 = arith.constant dense<0.000000e+00> : vector<1024x256xf32>
    %dot_general3A_198 = tpu.matmul %convert_element_type3A_176, %get3A_196, %dot_general3A_197 {dimension_numbers = #tpu.dot_dimension_numbers<[1], [0], [0], [1], [0, 0, 1, 1], [], []>, transpose_lhs_hint = false} : vector<1024x512xbf16>, vector<512x256xbf16>, vector<1024x256xf32> -> vector<1024x256xf32>
    %add3A_199 = arith.addf %add3A_191, %dot_general3A_198 : vector<1024x256xf32>
    %sub3A_200 = arith.subf %add3A_199, %sub3A_72 : vector<1024x256xf32>
    %add3A_201 = arith.addf %sub3A_72, %sub3A_200 : vector<1024x256xf32>
    %sub3A_202 = arith.subf %sub3A_72, %add3A_201 : vector<1024x256xf32>
    %add3A_203 = arith.addf %add3A_73, %add3A_201 : vector<1024x256xf32>
    %mul3A_204 = arith.mulf %sub3A_138, %sub3A_138 : vector<1024x256xf32>
    %reduce_sum3A_205 = arith.constant dense<0.000000e+00> : vector<1024xf32>
    %reduce_sum3A_206 = vector.multi_reduction <add>, %mul3A_204, %reduce_sum3A_205 [1] : vector<1024x256xf32> to vector<1024xf32>
    %broadcast_in_dim3A_207 = vector.shape_cast %reduce_sum3A_206 : vector<1024xf32> to vector<1024x1xf32>
    %dot_general3A_208 = arith.constant dense<0.000000e+00> : vector<1024x512xf32>
    %dot_general3A_209 = tpu.matmul %sub3A_138, %get3A_144, %dot_general3A_208 {dimension_numbers = #tpu.dot_dimension_numbers<[1], [0], [0], [1], [0, 0, 1, 1], [], []>, transpose_lhs_hint = false} : vector<1024x256xf32>, vector<256x512xf32>, vector<1024x512xf32> -> vector<1024x512xf32>
    %mul3A_210 = arith.constant 2.000000e+00 : f32
    %mul3A_211 = vector.broadcast %mul3A_210 : f32 to vector<1024x512xf32>
    %mul3A_212 = arith.mulf %mul3A_211, %dot_general3A_209 : vector<1024x512xf32>
    %sub3A_213 = vector.broadcast %broadcast_in_dim3A_207 : vector<1024x1xf32> to vector<1024x512xf32>
    %sub3A_214 = arith.subf %sub3A_213, %mul3A_212 : vector<1024x512xf32>
    %add3A_215 = vector.broadcast %get3A_147 : vector<1x512xf32> to vector<1024x512xf32>
    %add3A_216 = arith.addf %sub3A_214, %add3A_215 : vector<1024x512xf32>
    %reduce_min3A_217 = arith.constant dense<0x7F800000> : vector<1024xf32>
    %reduce_min3A_218 = vector.multi_reduction <minimumf>, %add3A_216, %reduce_min3A_217 [1] : vector<1024x512xf32> to vector<1024xf32>
    %broadcast_in_dim3A_219 = vector.shape_cast %reduce_min3A_218 : vector<1024xf32> to vector<1024x1xf32>
    %eq3A_220 = vector.broadcast %broadcast_in_dim3A_219 : vector<1024x1xf32> to vector<1024x512xf32>
    %eq3A_221 = arith.cmpf oeq, %add3A_216, %eq3A_220 : vector<1024x512xf32>
    %jit3A_222 = arith.constant 512 : i32
    %broadcast_in_dim3A_223 = vector.broadcast %jit3A_222 : i32 to vector<1024x512xi32>
    %select_n3A_224 = arith.select %eq3A_221, %iota3A, %broadcast_in_dim3A_223 : vector<1024x512xi1>, vector<1024x512xi32>
    %reduce_min3A_225 = arith.constant dense<2147483647> : vector<1024xi32>
    %reduce_min3A_226 = vector.multi_reduction <minsi>, %select_n3A_224, %reduce_min3A_225 [1] : vector<1024x512xi32> to vector<1024xi32>
    %broadcast_in_dim3A_227 = vector.shape_cast %reduce_min3A_226 : vector<1024xi32> to vector<1024x1xi32>
    %eq3A_228 = vector.broadcast %broadcast_in_dim3A_227 : vector<1024x1xi32> to vector<1024x512xi32>
    %eq3A_229 = arith.cmpi eq, %iota3A, %eq3A_228 : vector<1024x512xi32>
    %convert_element_type3A_230 = arith.extui %eq3A_229 : vector<1024x512xi1> to vector<1024x512xi32>
    %convert_element_type3A_231 = arith.sitofp %convert_element_type3A_230 : vector<1024x512xi32> to vector<1024x512xf32>
    %convert_element_type3A_232 = arith.truncf %convert_element_type3A_231 : vector<1024x512xf32> to vector<1024x512xbf16>
    %get3A_233 = arith.constant 1 : index
    %get3A_234 = arith.constant 0 : index
    %get3A_235 = arith.constant 0 : index
    %get3A_236 = vector.load %arg9[%get3A_233, %get3A_234, %get3A_235] : memref<4x512x256xbf16, #tpu.memory_space<vmem>>, vector<1x512x256xbf16>
    %get3A_237 = vector.shape_cast %get3A_236 : vector<1x512x256xbf16> to vector<512x256xbf16>
    %dot_general3A_238 = arith.constant dense<0.000000e+00> : vector<1024x256xf32>
    %dot_general3A_239 = tpu.matmul %convert_element_type3A_232, %get3A_237, %dot_general3A_238 {dimension_numbers = #tpu.dot_dimension_numbers<[1], [0], [0], [1], [0, 0, 1, 1], [], []>, transpose_lhs_hint = false} : vector<1024x512xbf16>, vector<512x256xbf16>, vector<1024x256xf32> -> vector<1024x256xf32>
    %get3A_240 = arith.constant 1 : index
    %get3A_241 = arith.constant 0 : index
    %get3A_242 = arith.constant 0 : index
    %get3A_243 = vector.load %arg10[%get3A_240, %get3A_241, %get3A_242] : memref<4x512x256xbf16, #tpu.memory_space<vmem>>, vector<1x512x256xbf16>
    %get3A_244 = vector.shape_cast %get3A_243 : vector<1x512x256xbf16> to vector<512x256xbf16>
    %dot_general3A_245 = arith.constant dense<0.000000e+00> : vector<1024x256xf32>
    %dot_general3A_246 = tpu.matmul %convert_element_type3A_232, %get3A_244, %dot_general3A_245 {dimension_numbers = #tpu.dot_dimension_numbers<[1], [0], [0], [1], [0, 0, 1, 1], [], []>, transpose_lhs_hint = false} : vector<1024x512xbf16>, vector<512x256xbf16>, vector<1024x256xf32> -> vector<1024x256xf32>
    %add3A_247 = arith.addf %dot_general3A_239, %dot_general3A_246 : vector<1024x256xf32>
    %get3A_248 = arith.constant 1 : index
    %get3A_249 = arith.constant 0 : index
    %get3A_250 = arith.constant 0 : index
    %get3A_251 = vector.load %arg11[%get3A_248, %get3A_249, %get3A_250] : memref<4x512x256xbf16, #tpu.memory_space<vmem>>, vector<1x512x256xbf16>
    %get3A_252 = vector.shape_cast %get3A_251 : vector<1x512x256xbf16> to vector<512x256xbf16>
    %dot_general3A_253 = arith.constant dense<0.000000e+00> : vector<1024x256xf32>
    %dot_general3A_254 = tpu.matmul %convert_element_type3A_232, %get3A_252, %dot_general3A_253 {dimension_numbers = #tpu.dot_dimension_numbers<[1], [0], [0], [1], [0, 0, 1, 1], [], []>, transpose_lhs_hint = false} : vector<1024x512xbf16>, vector<512x256xbf16>, vector<1024x256xf32> -> vector<1024x256xf32>
    %add3A_255 = arith.addf %add3A_247, %dot_general3A_254 : vector<1024x256xf32>
    %sub3A_256 = arith.subf %add3A_255, %sub3A_138 : vector<1024x256xf32>
    %add3A_257 = arith.addf %sub3A_138, %sub3A_256 : vector<1024x256xf32>
    %sub3A_258 = arith.subf %sub3A_138, %add3A_257 : vector<1024x256xf32>
    %add3A_259 = arith.addf %add3A_139, %add3A_257 : vector<1024x256xf32>
    %get3A_260 = arith.constant 2 : index
    %get3A_261 = arith.constant 0 : index
    %get3A_262 = arith.constant 0 : index
    %get3A_263 = vector.load %arg8[%get3A_260, %get3A_261, %get3A_262] : memref<4x256x512xf32, #tpu.memory_space<vmem>>, vector<1x256x512xf32>
    %get3A_264 = vector.shape_cast %get3A_263 : vector<1x256x512xf32> to vector<256x512xf32>
    %get3A_265 = arith.constant 2 : index
    %get3A_266 = arith.constant 0 : index
    %get3A_267 = vector.load %arg14[%get3A_265, %get3A_266] : memref<8x512xf32, #tpu.memory_space<vmem>>, vector<1x512xf32>
    %mul3A_268 = arith.mulf %sub3A_202, %sub3A_202 : vector<1024x256xf32>
    %reduce_sum3A_269 = arith.constant dense<0.000000e+00> : vector<1024xf32>
    %reduce_sum3A_270 = vector.multi_reduction <add>, %mul3A_268, %reduce_sum3A_269 [1] : vector<1024x256xf32> to vector<1024xf32>
    %broadcast_in_dim3A_271 = vector.shape_cast %reduce_sum3A_270 : vector<1024xf32> to vector<1024x1xf32>
    %dot_general3A_272 = arith.constant dense<0.000000e+00> : vector<1024x512xf32>
    %dot_general3A_273 = tpu.matmul %sub3A_202, %get3A_264, %dot_general3A_272 {dimension_numbers = #tpu.dot_dimension_numbers<[1], [0], [0], [1], [0, 0, 1, 1], [], []>, transpose_lhs_hint = false} : vector<1024x256xf32>, vector<256x512xf32>, vector<1024x512xf32> -> vector<1024x512xf32>
    %mul3A_274 = arith.constant 2.000000e+00 : f32
    %mul3A_275 = vector.broadcast %mul3A_274 : f32 to vector<1024x512xf32>
    %mul3A_276 = arith.mulf %mul3A_275, %dot_general3A_273 : vector<1024x512xf32>
    %sub3A_277 = vector.broadcast %broadcast_in_dim3A_271 : vector<1024x1xf32> to vector<1024x512xf32>
    %sub3A_278 = arith.subf %sub3A_277, %mul3A_276 : vector<1024x512xf32>
    %add3A_279 = vector.broadcast %get3A_267 : vector<1x512xf32> to vector<1024x512xf32>
    %add3A_280 = arith.addf %sub3A_278, %add3A_279 : vector<1024x512xf32>
    %reduce_min3A_281 = arith.constant dense<0x7F800000> : vector<1024xf32>
    %reduce_min3A_282 = vector.multi_reduction <minimumf>, %add3A_280, %reduce_min3A_281 [1] : vector<1024x512xf32> to vector<1024xf32>
    %broadcast_in_dim3A_283 = vector.shape_cast %reduce_min3A_282 : vector<1024xf32> to vector<1024x1xf32>
    %eq3A_284 = vector.broadcast %broadcast_in_dim3A_283 : vector<1024x1xf32> to vector<1024x512xf32>
    %eq3A_285 = arith.cmpf oeq, %add3A_280, %eq3A_284 : vector<1024x512xf32>
    %jit3A_286 = arith.constant 512 : i32
    %broadcast_in_dim3A_287 = vector.broadcast %jit3A_286 : i32 to vector<1024x512xi32>
    %select_n3A_288 = arith.select %eq3A_285, %iota3A, %broadcast_in_dim3A_287 : vector<1024x512xi1>, vector<1024x512xi32>
    %reduce_min3A_289 = arith.constant dense<2147483647> : vector<1024xi32>
    %reduce_min3A_290 = vector.multi_reduction <minsi>, %select_n3A_288, %reduce_min3A_289 [1] : vector<1024x512xi32> to vector<1024xi32>
    %broadcast_in_dim3A_291 = vector.shape_cast %reduce_min3A_290 : vector<1024xi32> to vector<1024x1xi32>
    %eq3A_292 = vector.broadcast %broadcast_in_dim3A_291 : vector<1024x1xi32> to vector<1024x512xi32>
    %eq3A_293 = arith.cmpi eq, %iota3A, %eq3A_292 : vector<1024x512xi32>
    %convert_element_type3A_294 = arith.extui %eq3A_293 : vector<1024x512xi1> to vector<1024x512xi32>
    %convert_element_type3A_295 = arith.sitofp %convert_element_type3A_294 : vector<1024x512xi32> to vector<1024x512xf32>
    %convert_element_type3A_296 = arith.truncf %convert_element_type3A_295 : vector<1024x512xf32> to vector<1024x512xbf16>
    %get3A_297 = arith.constant 2 : index
    %get3A_298 = arith.constant 0 : index
    %get3A_299 = arith.constant 0 : index
    %get3A_300 = vector.load %arg9[%get3A_297, %get3A_298, %get3A_299] : memref<4x512x256xbf16, #tpu.memory_space<vmem>>, vector<1x512x256xbf16>
    %get3A_301 = vector.shape_cast %get3A_300 : vector<1x512x256xbf16> to vector<512x256xbf16>
    %dot_general3A_302 = arith.constant dense<0.000000e+00> : vector<1024x256xf32>
    %dot_general3A_303 = tpu.matmul %convert_element_type3A_296, %get3A_301, %dot_general3A_302 {dimension_numbers = #tpu.dot_dimension_numbers<[1], [0], [0], [1], [0, 0, 1, 1], [], []>, transpose_lhs_hint = false} : vector<1024x512xbf16>, vector<512x256xbf16>, vector<1024x256xf32> -> vector<1024x256xf32>
    %get3A_304 = arith.constant 2 : index
    %get3A_305 = arith.constant 0 : index
    %get3A_306 = arith.constant 0 : index
    %get3A_307 = vector.load %arg10[%get3A_304, %get3A_305, %get3A_306] : memref<4x512x256xbf16, #tpu.memory_space<vmem>>, vector<1x512x256xbf16>
    %get3A_308 = vector.shape_cast %get3A_307 : vector<1x512x256xbf16> to vector<512x256xbf16>
    %dot_general3A_309 = arith.constant dense<0.000000e+00> : vector<1024x256xf32>
    %dot_general3A_310 = tpu.matmul %convert_element_type3A_296, %get3A_308, %dot_general3A_309 {dimension_numbers = #tpu.dot_dimension_numbers<[1], [0], [0], [1], [0, 0, 1, 1], [], []>, transpose_lhs_hint = false} : vector<1024x512xbf16>, vector<512x256xbf16>, vector<1024x256xf32> -> vector<1024x256xf32>
    %add3A_311 = arith.addf %dot_general3A_303, %dot_general3A_310 : vector<1024x256xf32>
    %get3A_312 = arith.constant 2 : index
    %get3A_313 = arith.constant 0 : index
    %get3A_314 = arith.constant 0 : index
    %get3A_315 = vector.load %arg11[%get3A_312, %get3A_313, %get3A_314] : memref<4x512x256xbf16, #tpu.memory_space<vmem>>, vector<1x512x256xbf16>
    %get3A_316 = vector.shape_cast %get3A_315 : vector<1x512x256xbf16> to vector<512x256xbf16>
    %dot_general3A_317 = arith.constant dense<0.000000e+00> : vector<1024x256xf32>
    %dot_general3A_318 = tpu.matmul %convert_element_type3A_296, %get3A_316, %dot_general3A_317 {dimension_numbers = #tpu.dot_dimension_numbers<[1], [0], [0], [1], [0, 0, 1, 1], [], []>, transpose_lhs_hint = false} : vector<1024x512xbf16>, vector<512x256xbf16>, vector<1024x256xf32> -> vector<1024x256xf32>
    %add3A_319 = arith.addf %add3A_311, %dot_general3A_318 : vector<1024x256xf32>
    %sub3A_320 = arith.subf %add3A_319, %sub3A_202 : vector<1024x256xf32>
    %add3A_321 = arith.addf %sub3A_202, %sub3A_320 : vector<1024x256xf32>
    %sub3A_322 = arith.subf %sub3A_202, %add3A_321 : vector<1024x256xf32>
    %add3A_323 = arith.addf %add3A_203, %add3A_321 : vector<1024x256xf32>
    %mul3A_324 = arith.mulf %sub3A_258, %sub3A_258 : vector<1024x256xf32>
    %reduce_sum3A_325 = arith.constant dense<0.000000e+00> : vector<1024xf32>
    %reduce_sum3A_326 = vector.multi_reduction <add>, %mul3A_324, %reduce_sum3A_325 [1] : vector<1024x256xf32> to vector<1024xf32>
    %broadcast_in_dim3A_327 = vector.shape_cast %reduce_sum3A_326 : vector<1024xf32> to vector<1024x1xf32>
    %dot_general3A_328 = arith.constant dense<0.000000e+00> : vector<1024x512xf32>
    %dot_general3A_329 = tpu.matmul %sub3A_258, %get3A_264, %dot_general3A_328 {dimension_numbers = #tpu.dot_dimension_numbers<[1], [0], [0], [1], [0, 0, 1, 1], [], []>, transpose_lhs_hint = false} : vector<1024x256xf32>, vector<256x512xf32>, vector<1024x512xf32> -> vector<1024x512xf32>
    %mul3A_330 = arith.constant 2.000000e+00 : f32
    %mul3A_331 = vector.broadcast %mul3A_330 : f32 to vector<1024x512xf32>
    %mul3A_332 = arith.mulf %mul3A_331, %dot_general3A_329 : vector<1024x512xf32>
    %sub3A_333 = vector.broadcast %broadcast_in_dim3A_327 : vector<1024x1xf32> to vector<1024x512xf32>
    %sub3A_334 = arith.subf %sub3A_333, %mul3A_332 : vector<1024x512xf32>
    %add3A_335 = vector.broadcast %get3A_267 : vector<1x512xf32> to vector<1024x512xf32>
    %add3A_336 = arith.addf %sub3A_334, %add3A_335 : vector<1024x512xf32>
    %reduce_min3A_337 = arith.constant dense<0x7F800000> : vector<1024xf32>
    %reduce_min3A_338 = vector.multi_reduction <minimumf>, %add3A_336, %reduce_min3A_337 [1] : vector<1024x512xf32> to vector<1024xf32>
    %broadcast_in_dim3A_339 = vector.shape_cast %reduce_min3A_338 : vector<1024xf32> to vector<1024x1xf32>
    %eq3A_340 = vector.broadcast %broadcast_in_dim3A_339 : vector<1024x1xf32> to vector<1024x512xf32>
    %eq3A_341 = arith.cmpf oeq, %add3A_336, %eq3A_340 : vector<1024x512xf32>
    %jit3A_342 = arith.constant 512 : i32
    %broadcast_in_dim3A_343 = vector.broadcast %jit3A_342 : i32 to vector<1024x512xi32>
    %select_n3A_344 = arith.select %eq3A_341, %iota3A, %broadcast_in_dim3A_343 : vector<1024x512xi1>, vector<1024x512xi32>
    %reduce_min3A_345 = arith.constant dense<2147483647> : vector<1024xi32>
    %reduce_min3A_346 = vector.multi_reduction <minsi>, %select_n3A_344, %reduce_min3A_345 [1] : vector<1024x512xi32> to vector<1024xi32>
    %broadcast_in_dim3A_347 = vector.shape_cast %reduce_min3A_346 : vector<1024xi32> to vector<1024x1xi32>
    %eq3A_348 = vector.broadcast %broadcast_in_dim3A_347 : vector<1024x1xi32> to vector<1024x512xi32>
    %eq3A_349 = arith.cmpi eq, %iota3A, %eq3A_348 : vector<1024x512xi32>
    %convert_element_type3A_350 = arith.extui %eq3A_349 : vector<1024x512xi1> to vector<1024x512xi32>
    %convert_element_type3A_351 = arith.sitofp %convert_element_type3A_350 : vector<1024x512xi32> to vector<1024x512xf32>
    %convert_element_type3A_352 = arith.truncf %convert_element_type3A_351 : vector<1024x512xf32> to vector<1024x512xbf16>
    %get3A_353 = arith.constant 2 : index
    %get3A_354 = arith.constant 0 : index
    %get3A_355 = arith.constant 0 : index
    %get3A_356 = vector.load %arg9[%get3A_353, %get3A_354, %get3A_355] : memref<4x512x256xbf16, #tpu.memory_space<vmem>>, vector<1x512x256xbf16>
    %get3A_357 = vector.shape_cast %get3A_356 : vector<1x512x256xbf16> to vector<512x256xbf16>
    %dot_general3A_358 = arith.constant dense<0.000000e+00> : vector<1024x256xf32>
    %dot_general3A_359 = tpu.matmul %convert_element_type3A_352, %get3A_357, %dot_general3A_358 {dimension_numbers = #tpu.dot_dimension_numbers<[1], [0], [0], [1], [0, 0, 1, 1], [], []>, transpose_lhs_hint = false} : vector<1024x512xbf16>, vector<512x256xbf16>, vector<1024x256xf32> -> vector<1024x256xf32>
    %get3A_360 = arith.constant 2 : index
    %get3A_361 = arith.constant 0 : index
    %get3A_362 = arith.constant 0 : index
    %get3A_363 = vector.load %arg10[%get3A_360, %get3A_361, %get3A_362] : memref<4x512x256xbf16, #tpu.memory_space<vmem>>, vector<1x512x256xbf16>
    %get3A_364 = vector.shape_cast %get3A_363 : vector<1x512x256xbf16> to vector<512x256xbf16>
    %dot_general3A_365 = arith.constant dense<0.000000e+00> : vector<1024x256xf32>
    %dot_general3A_366 = tpu.matmul %convert_element_type3A_352, %get3A_364, %dot_general3A_365 {dimension_numbers = #tpu.dot_dimension_numbers<[1], [0], [0], [1], [0, 0, 1, 1], [], []>, transpose_lhs_hint = false} : vector<1024x512xbf16>, vector<512x256xbf16>, vector<1024x256xf32> -> vector<1024x256xf32>
    %add3A_367 = arith.addf %dot_general3A_359, %dot_general3A_366 : vector<1024x256xf32>
    %get3A_368 = arith.constant 2 : index
    %get3A_369 = arith.constant 0 : index
    %get3A_370 = arith.constant 0 : index
    %get3A_371 = vector.load %arg11[%get3A_368, %get3A_369, %get3A_370] : memref<4x512x256xbf16, #tpu.memory_space<vmem>>, vector<1x512x256xbf16>
    %get3A_372 = vector.shape_cast %get3A_371 : vector<1x512x256xbf16> to vector<512x256xbf16>
    %dot_general3A_373 = arith.constant dense<0.000000e+00> : vector<1024x256xf32>
    %dot_general3A_374 = tpu.matmul %convert_element_type3A_352, %get3A_372, %dot_general3A_373 {dimension_numbers = #tpu.dot_dimension_numbers<[1], [0], [0], [1], [0, 0, 1, 1], [], []>, transpose_lhs_hint = false} : vector<1024x512xbf16>, vector<512x256xbf16>, vector<1024x256xf32> -> vector<1024x256xf32>
    %add3A_375 = arith.addf %add3A_367, %dot_general3A_374 : vector<1024x256xf32>
    %sub3A_376 = arith.subf %add3A_375, %sub3A_258 : vector<1024x256xf32>
    %add3A_377 = arith.addf %sub3A_258, %sub3A_376 : vector<1024x256xf32>
    %sub3A_378 = arith.subf %sub3A_258, %add3A_377 : vector<1024x256xf32>
    %add3A_379 = arith.addf %add3A_259, %add3A_377 : vector<1024x256xf32>
    %get3A_380 = arith.constant 3 : index
    %get3A_381 = arith.constant 0 : index
    %get3A_382 = arith.constant 0 : index
    %get3A_383 = vector.load %arg8[%get3A_380, %get3A_381, %get3A_382] : memref<4x256x512xf32, #tpu.memory_space<vmem>>, vector<1x256x512xf32>
    %get3A_384 = vector.shape_cast %get3A_383 : vector<1x256x512xf32> to vector<256x512xf32>
    %get3A_385 = arith.constant 3 : index
    %get3A_386 = arith.constant 0 : index
    %get3A_387 = vector.load %arg14[%get3A_385, %get3A_386] : memref<8x512xf32, #tpu.memory_space<vmem>>, vector<1x512xf32>
    %mul3A_388 = arith.mulf %sub3A_322, %sub3A_322 : vector<1024x256xf32>
    %reduce_sum3A_389 = arith.constant dense<0.000000e+00> : vector<1024xf32>
    %reduce_sum3A_390 = vector.multi_reduction <add>, %mul3A_388, %reduce_sum3A_389 [1] : vector<1024x256xf32> to vector<1024xf32>
    %broadcast_in_dim3A_391 = vector.shape_cast %reduce_sum3A_390 : vector<1024xf32> to vector<1024x1xf32>
    %dot_general3A_392 = arith.constant dense<0.000000e+00> : vector<1024x512xf32>
    %dot_general3A_393 = tpu.matmul %sub3A_322, %get3A_384, %dot_general3A_392 {dimension_numbers = #tpu.dot_dimension_numbers<[1], [0], [0], [1], [0, 0, 1, 1], [], []>, transpose_lhs_hint = false} : vector<1024x256xf32>, vector<256x512xf32>, vector<1024x512xf32> -> vector<1024x512xf32>
    %mul3A_394 = arith.constant 2.000000e+00 : f32
    %mul3A_395 = vector.broadcast %mul3A_394 : f32 to vector<1024x512xf32>
    %mul3A_396 = arith.mulf %mul3A_395, %dot_general3A_393 : vector<1024x512xf32>
    %sub3A_397 = vector.broadcast %broadcast_in_dim3A_391 : vector<1024x1xf32> to vector<1024x512xf32>
    %sub3A_398 = arith.subf %sub3A_397, %mul3A_396 : vector<1024x512xf32>
    %add3A_399 = vector.broadcast %get3A_387 : vector<1x512xf32> to vector<1024x512xf32>
    %add3A_400 = arith.addf %sub3A_398, %add3A_399 : vector<1024x512xf32>
    %reduce_min3A_401 = arith.constant dense<0x7F800000> : vector<1024xf32>
    %reduce_min3A_402 = vector.multi_reduction <minimumf>, %add3A_400, %reduce_min3A_401 [1] : vector<1024x512xf32> to vector<1024xf32>
    %broadcast_in_dim3A_403 = vector.shape_cast %reduce_min3A_402 : vector<1024xf32> to vector<1024x1xf32>
    %eq3A_404 = vector.broadcast %broadcast_in_dim3A_403 : vector<1024x1xf32> to vector<1024x512xf32>
    %eq3A_405 = arith.cmpf oeq, %add3A_400, %eq3A_404 : vector<1024x512xf32>
    %jit3A_406 = arith.constant 512 : i32
    %broadcast_in_dim3A_407 = vector.broadcast %jit3A_406 : i32 to vector<1024x512xi32>
    %select_n3A_408 = arith.select %eq3A_405, %iota3A, %broadcast_in_dim3A_407 : vector<1024x512xi1>, vector<1024x512xi32>
    %reduce_min3A_409 = arith.constant dense<2147483647> : vector<1024xi32>
    %reduce_min3A_410 = vector.multi_reduction <minsi>, %select_n3A_408, %reduce_min3A_409 [1] : vector<1024x512xi32> to vector<1024xi32>
    %broadcast_in_dim3A_411 = vector.shape_cast %reduce_min3A_410 : vector<1024xi32> to vector<1024x1xi32>
    %eq3A_412 = vector.broadcast %broadcast_in_dim3A_411 : vector<1024x1xi32> to vector<1024x512xi32>
    %eq3A_413 = arith.cmpi eq, %iota3A, %eq3A_412 : vector<1024x512xi32>
    %convert_element_type3A_414 = arith.extui %eq3A_413 : vector<1024x512xi1> to vector<1024x512xi32>
    %convert_element_type3A_415 = arith.sitofp %convert_element_type3A_414 : vector<1024x512xi32> to vector<1024x512xf32>
    %convert_element_type3A_416 = arith.truncf %convert_element_type3A_415 : vector<1024x512xf32> to vector<1024x512xbf16>
    %get3A_417 = arith.constant 0 : index
    %get3A_418 = arith.constant 0 : index
    %get3A_419 = vector.load %arg12[%get3A_417, %get3A_418] : memref<256x256xf32, #tpu.memory_space<vmem>>, vector<256x256xf32>
    %dot_general3A_420 = arith.constant dense<0.000000e+00> : vector<1024x256xf32>
    %dot_general3A_421 = tpu.matmul %add3A_323, %get3A_419, %dot_general3A_420 {dimension_numbers = #tpu.dot_dimension_numbers<[1], [0], [0], [1], [0, 0, 1, 1], [], []>, transpose_lhs_hint = false} : vector<1024x256xf32>, vector<256x256xf32>, vector<1024x256xf32> -> vector<1024x256xf32>
    %get3A_422 = arith.constant 0 : index
    %get3A_423 = arith.constant 0 : index
    %get3A_424 = vector.load %arg13[%get3A_422, %get3A_423] : memref<512x256xbf16, #tpu.memory_space<vmem>>, vector<512x256xbf16>
    %dot_general3A_425 = arith.constant dense<0.000000e+00> : vector<1024x256xf32>
    %dot_general3A_426 = tpu.matmul %convert_element_type3A_416, %get3A_424, %dot_general3A_425 {dimension_numbers = #tpu.dot_dimension_numbers<[1], [0], [0], [1], [0, 0, 1, 1], [], []>, transpose_lhs_hint = false} : vector<1024x512xbf16>, vector<512x256xbf16>, vector<1024x256xf32> -> vector<1024x256xf32>
    %add3A_427 = arith.addf %dot_general3A_421, %dot_general3A_426 : vector<1024x256xf32>
    %get3A_428 = arith.constant 0 : index
    %get3A_429 = arith.constant 0 : index
    %get3A_430 = vector.load %arg4[%get3A_428, %get3A_429] : memref<1x256xf32, #tpu.memory_space<vmem>>, vector<1x256xf32>
    %add3A_431 = vector.broadcast %get3A_430 : vector<1x256xf32> to vector<1024x256xf32>
    %add3A_432 = arith.addf %add3A_427, %add3A_431 : vector<1024x256xf32>
    %swap3A_433 = arith.constant 0 : index
    %swap3A_434 = arith.constant 0 : index
    %swap3A_435 = vector.load %arg5[%swap3A_433, %swap3A_434] : memref<2048x256xf32, #tpu.memory_space<vmem>>, vector<1024x256xf32>
    tpu.vector_store %arg5[%swap3A_433, %swap3A_434], %add3A_432 {strides = array<i32>} : memref<2048x256xf32, #tpu.memory_space<vmem>>, vector<1024x256xf32>,
    %mul3A_436 = arith.mulf %sub3A_378, %sub3A_378 : vector<1024x256xf32>
    %reduce_sum3A_437 = arith.constant dense<0.000000e+00> : vector<1024xf32>
    %reduce_sum3A_438 = vector.multi_reduction <add>, %mul3A_436, %reduce_sum3A_437 [1] : vector<1024x256xf32> to vector<1024xf32>
    %broadcast_in_dim3A_439 = vector.shape_cast %reduce_sum3A_438 : vector<1024xf32> to vector<1024x1xf32>
    %dot_general3A_440 = arith.constant dense<0.000000e+00> : vector<1024x512xf32>
    %dot_general3A_441 = tpu.matmul %sub3A_378, %get3A_384, %dot_general3A_440 {dimension_numbers = #tpu.dot_dimension_numbers<[1], [0], [0], [1], [0, 0, 1, 1], [], []>, transpose_lhs_hint = false} : vector<1024x256xf32>, vector<256x512xf32>, vector<1024x512xf32> -> vector<1024x512xf32>
    %mul3A_442 = arith.constant 2.000000e+00 : f32
    %mul3A_443 = vector.broadcast %mul3A_442 : f32 to vector<1024x512xf32>
    %mul3A_444 = arith.mulf %mul3A_443, %dot_general3A_441 : vector<1024x512xf32>
    %sub3A_445 = vector.broadcast %broadcast_in_dim3A_439 : vector<1024x1xf32> to vector<1024x512xf32>
    %sub3A_446 = arith.subf %sub3A_445, %mul3A_444 : vector<1024x512xf32>
    %add3A_447 = vector.broadcast %get3A_387 : vector<1x512xf32> to vector<1024x512xf32>
    %add3A_448 = arith.addf %sub3A_446, %add3A_447 : vector<1024x512xf32>
    %reduce_min3A_449 = arith.constant dense<0x7F800000> : vector<1024xf32>
    %reduce_min3A_450 = vector.multi_reduction <minimumf>, %add3A_448, %reduce_min3A_449 [1] : vector<1024x512xf32> to vector<1024xf32>
    %broadcast_in_dim3A_451 = vector.shape_cast %reduce_min3A_450 : vector<1024xf32> to vector<1024x1xf32>
    %eq3A_452 = vector.broadcast %broadcast_in_dim3A_451 : vector<1024x1xf32> to vector<1024x512xf32>
    %eq3A_453 = arith.cmpf oeq, %add3A_448, %eq3A_452 : vector<1024x512xf32>
    %jit3A_454 = arith.constant 512 : i32
    %broadcast_in_dim3A_455 = vector.broadcast %jit3A_454 : i32 to vector<1024x512xi32>
    %select_n3A_456 = arith.select %eq3A_453, %iota3A, %broadcast_in_dim3A_455 : vector<1024x512xi1>, vector<1024x512xi32>
    %reduce_min3A_457 = arith.constant dense<2147483647> : vector<1024xi32>
    %reduce_min3A_458 = vector.multi_reduction <minsi>, %select_n3A_456, %reduce_min3A_457 [1] : vector<1024x512xi32> to vector<1024xi32>
    %broadcast_in_dim3A_459 = vector.shape_cast %reduce_min3A_458 : vector<1024xi32> to vector<1024x1xi32>
    %eq3A_460 = vector.broadcast %broadcast_in_dim3A_459 : vector<1024x1xi32> to vector<1024x512xi32>
    %eq3A_461 = arith.cmpi eq, %iota3A, %eq3A_460 : vector<1024x512xi32>
    %convert_element_type3A_462 = arith.extui %eq3A_461 : vector<1024x512xi1> to vector<1024x512xi32>
    %convert_element_type3A_463 = arith.sitofp %convert_element_type3A_462 : vector<1024x512xi32> to vector<1024x512xf32>
    %convert_element_type3A_464 = arith.truncf %convert_element_type3A_463 : vector<1024x512xf32> to vector<1024x512xbf16>
    %get3A_465 = arith.constant 0 : index
    %get3A_466 = arith.constant 0 : index
    %get3A_467 = vector.load %arg12[%get3A_465, %get3A_466] : memref<256x256xf32, #tpu.memory_space<vmem>>, vector<256x256xf32>
    %dot_general3A_468 = arith.constant dense<0.000000e+00> : vector<1024x256xf32>
    %dot_general3A_469 = tpu.matmul %add3A_379, %get3A_467, %dot_general3A_468 {dimension_numbers = #tpu.dot_dimension_numbers<[1], [0], [0], [1], [0, 0, 1, 1], [], []>, transpose_lhs_hint = false} : vector<1024x256xf32>, vector<256x256xf32>, vector<1024x256xf32> -> vector<1024x256xf32>
    %get3A_470 = arith.constant 0 : index
    %get3A_471 = arith.constant 0 : index
    %get3A_472 = vector.load %arg13[%get3A_470, %get3A_471] : memref<512x256xbf16, #tpu.memory_space<vmem>>, vector<512x256xbf16>
    %dot_general3A_473 = arith.constant dense<0.000000e+00> : vector<1024x256xf32>
    %dot_general3A_474 = tpu.matmul %convert_element_type3A_464, %get3A_472, %dot_general3A_473 {dimension_numbers = #tpu.dot_dimension_numbers<[1], [0], [0], [1], [0, 0, 1, 1], [], []>, transpose_lhs_hint = false} : vector<1024x512xbf16>, vector<512x256xbf16>, vector<1024x256xf32> -> vector<1024x256xf32>
    %add3A_475 = arith.addf %dot_general3A_469, %dot_general3A_474 : vector<1024x256xf32>
    %get3A_476 = arith.constant 0 : index
    %get3A_477 = arith.constant 0 : index
    %get3A_478 = vector.load %arg4[%get3A_476, %get3A_477] : memref<1x256xf32, #tpu.memory_space<vmem>>, vector<1x256xf32>
    %add3A_479 = vector.broadcast %get3A_478 : vector<1x256xf32> to vector<1024x256xf32>
    %add3A_480 = arith.addf %add3A_475, %add3A_479 : vector<1024x256xf32>
    %swap3A_481 = arith.constant 1024 : index
    %swap3A_482 = arith.constant 0 : index
    %swap3A_483 = vector.load %arg5[%swap3A_481, %swap3A_482] : memref<2048x256xf32, #tpu.memory_space<vmem>>, vector<1024x256xf32>
    tpu.vector_store %arg5[%swap3A_481, %swap3A_482], %add3A_480 {strides = array<i32>} : memref<2048x256xf32, #tpu.memory_space<vmem>>, vector<1024x256xf32>,
    %add3A_484 = arith.constant 0.000000e+00 : f32
    %add3A_485 = arith.addf %add3A_484, %reduce_sum3A_69 : f32
    %add3A_486 = arith.addf %add3A_485, %reduce_sum3A_135 : f32
    %reshape3A = vector.broadcast %add3A_486 : f32 to vector<1x1xf32>
    %eq3A_487 = arith.constant 0 : i32
    %eq3A_488 = arith.cmpi eq, %arg0, %eq3A_487 : i32
    %convert_element_type3A_489 = arith.extui %eq3A_488 : i1 to i32
    %cond3A_490 = arith.constant 0 : i32
    %cond3A_491 = arith.cmpi ne, %convert_element_type3A_489, %cond3A_490 : i32
    scf.if %cond3A_491 {
      %swap3A_496 = arith.constant 0 : index
      %swap3A_497 = arith.constant 0 : index
      %swap3A_498 = vector.load %arg7[%swap3A_496, %swap3A_497] : memref<1x1xf32, #tpu.memory_space<vmem>>, vector<1x1xf32>
      tpu.vector_store %arg7[%swap3A_496, %swap3A_497], %reshape3A {strides = array<i32>} : memref<1x1xf32, #tpu.memory_space<vmem>>, vector<1x1xf32>,
    } else {
    }
    %ne3A = arith.constant 0 : i32
    %ne3A_492 = arith.cmpi ne, %arg0, %ne3A : i32
    %convert_element_type3A_493 = arith.extui %ne3A_492 : i1 to i32
    %cond3A_494 = arith.constant 0 : i32
    %cond3A_495 = arith.cmpi ne, %convert_element_type3A_493, %cond3A_494 : i32
    scf.if %cond3A_495 {
      %get3A_496 = arith.constant 0 : index
      %get3A_497 = arith.constant 0 : index
      %get3A_498 = vector.load %arg7[%get3A_496, %get3A_497] : memref<1x1xf32, #tpu.memory_space<vmem>>, vector<1x1xf32>
      %add3A_499 = arith.addf %get3A_498, %reshape3A : vector<1x1xf32>
      %swap3A_500 = arith.constant 0 : index
      %swap3A_501 = arith.constant 0 : index
      %swap3A_502 = vector.load %arg7[%swap3A_500, %swap3A_501] : memref<1x1xf32, #tpu.memory_space<vmem>>, vector<1x1xf32>
      tpu.vector_store %arg7[%swap3A_500, %swap3A_501], %add3A_499 {strides = array<i32>} : memref<1x1xf32, #tpu.memory_space<vmem>>, vector<1x1xf32>,
    } else {
    }
    return
  }
  func.func @transform_0(%arg0: i32) -> (i32, i32) {
    %c0_i32 = arith.constant 0 : i32
    %c0_i32_0 = arith.constant 0 : i32
    return %arg0, %c0_i32 : i32, i32
  }
  func.func @transform_1(%arg0: i32) -> (i32, i32, i32) {
    %c0_i32 = arith.constant 0 : i32
    %c0_i32_0 = arith.constant 0 : i32
    %c0_i32_1 = arith.constant 0 : i32
    %c0_i32_2 = arith.constant 0 : i32
    return %c0_i32, %c0_i32_0, %c0_i32_1 : i32, i32, i32
  }
  func.func @transform_2(%arg0: i32) -> (i32, i32) {
    %c0_i32 = arith.constant 0 : i32
    %c0_i32_0 = arith.constant 0 : i32
    %c0_i32_1 = arith.constant 0 : i32
    return %c0_i32, %c0_i32_0 : i32, i32
  }
  func.func @transform_3(%arg0: i32) -> (i32, i32) {
    %c0_i32 = arith.constant 0 : i32
    %c0_i32_0 = arith.constant 0 : i32
    %c0_i32_1 = arith.constant 0 : i32
    return %c0_i32, %c0_i32_0 : i32, i32
  }
  func.func @transform_4(%arg0: i32) -> (i32, i32) {
    %c0_i32 = arith.constant 0 : i32
    %c0_i32_0 = arith.constant 0 : i32
    return %arg0, %c0_i32 : i32, i32
  }
  func.func @transform_5(%arg0: i32) -> (i32, i32) {
    %c0_i32 = arith.constant 0 : i32
    %c0_i32_0 = arith.constant 0 : i32
    return %arg0, %c0_i32 : i32, i32
  }
  func.func @transform_6(%arg0: i32) -> (i32, i32) {
    %c0_i32 = arith.constant 0 : i32
    %c0_i32_0 = arith.constant 0 : i32
    %c0_i32_1 = arith.constant 0 : i32
    return %c0_i32, %c0_i32_0 : i32, i32
  }
}

</mosaic_0001>

<sc_bundles>
// kernel: sparse-core-data-format-call.cloned.1.call-start
scs
called_computation_lowered:
.L_overlay_start_0:
0x0: {  	s2 =	sld [smem:$0x3FD9]  }
0x1: {  	s3 =	sld [smem:$0x3FFE];
	_ =	sdelay $0x1  }
0x2: {  	s1 =	srdreg.scid  }
0x3: {  	s0 =	sand.u32 $0x1, s1  }
0x4: {  	s15 =	sshll.u32 s0, $0xA;
	s2 =	sadd.s32 s3, s2  }
0x5: {  	s2 =	sadd.s32 s2, s15  }
0x6: {  	[smem:$0x3FC4] =	sst s2  }
0x7: {  	_ = 	snop  }
0x8: {  	s2 =	sld [smem:$0x3FD0];
	_ =	sdelay $0x2  }
0x9: {  	s16 =	simm.s32 $0xA;
	s4 =	simm.s32 $0x10  }
0xa: {  	[smem:s4], [sflag:s16] =	dma.local [hbm:s2], $0x1  }
0xb: {  	_ =	swait.eq [sflag:s16], $0x1  }
0xc: {  	[sflag:s16] =	ssyncset.done $0x0  }
0xd: {  	[sflag:s16] =	ssyncadd.s32 $0xFFFFFFFF  }
0xe: {  	s17 =	sld [smem:$0x10];
	(tm) =	ssettm $0x1  }
0xf: {  	s18 =	sld [smem:$0x3FFB];
	_ =	sdelay $0x3  }
0x10: {  	_ =	strace s18  }
0x11: {  	s3 =	sld [smem:$0x3FFC];
	_ =	sdelay $0x3  }
0x12: {  	_ =	strace s3  }
0x13: {  	s3 =	sld [smem:$0x3FFD];
	_ =	sdelay $0x3  }
0x14: {  	_ =	strace s3  }
0x15: {  	_ =	strace $0x8FFFFFFF  }
0x16: {  	s19 =	sld [smem:$0x3FDB];
	_ =	sdelay $0x1  }
0x17: {  	s20 =	simm.s32 $_scs_section_size  }
0x18: {  	s5 =	simm.s32 $_size__tile_overlayer_lowered;
	s6 =	simm.s32 $_tile_overlayer_lowered  }
0x19: {  	s23 =	simm.s32 $0x1BFF;
	s22 =	sshll.u32 s6, $0x1;
	s3 =	sadd.s32 s20, s19  }
0x1a: {  	s7 =	simm.s32 $0x0;
	s21 =	sshll.u32 s5, $0x1;
	s5 =	sadd.s32 s22, s3  }
0x1b: {  	[timem:s7], [sflag:s23] =	dma.local [hbm:s5], s21  }
0x1c: {  	_ =	swait.ge [sflag:s23], s21  }
0x1d: {  	s4 =	ssub.s32 $0x0, s21;
	[sflag:s23] =	ssyncset.done $0x0  }
0x1e: {  	[sflag:s23] =	ssyncadd.s32 s4;
	_ =	sdelay $0x1  }
0x1f: {  	s24 =	simm.s32 $0x1B8B  }
0x20: {  	_ =	swait.ge [sflag:s24], $0x1  }
0x21: {  	[sflag:s24] =	ssyncset.done $0x0  }
0x22: {  	s26 =	simm.s32 $0x1B8E;
	s25 =	sld [smem:$0x3FFE];
	[sflag:s24] =	ssyncadd.s32 $0xFFFFFFFF  }
0x23: {  	s27 =	simm.s32 $execute0_lowered;
	[smem:$0x3FD2] =	sst s26  }
0x24: {  	s5 =	sshll.u32 s27, $0x1;
	_ =	strace $0x80000046;
	[dreg:$0x1] =	wrdreg $0xFFFFFFFF  }
0x25: {  	s28 =	simm.s32 $_size_execute0_lowered;
	s3 =	sadd.s32 s3, s5;
	[dreg:$0x0] =	wrdreg $0x0  }
0x26: {  	s5 =	sshll.u32 s28, $0x1;
	[dreg:$0x2] =	wrdreg s3  }
0x27: {  	[dreg:$0x3] =	wrdreg s5  }
0x28: {  	[dreg:$0x4] =	wrdreg $0xC0  }
0x29: {  	_ =	task [dreg:s7], $0x5FFFF  }
0x2a: {  	[dreg:$0x1] =	wrdreg $0xFFFFFFFF  }
0x2b: {  	[dreg:$0x0] =	wrdreg $0x60  }
0x2c: {  	[dreg:$0x2] =	wrdreg s25  }
0x2d: {  	[dreg:$0x3] =	wrdreg s17  }
0x2e: {  	[dreg:$0x4] =	wrdreg $0x9  }
0x2f: {  	_ =	task.clear_ibuf [dreg:s7], $0x5FFFF;
	_ =	strace $0x90000046  }
0x30: {  	s29 =	simm.s32 $0x9;
	_ =	strace $0x80000048  }
0x31: {  	_ =	swait.ge [sflag:s29], $0x1  }
0x32: {  	[sflag:s29] =	ssyncadd.s32 $0xFFFFFFFF  }
0x33: {  	_ =	strace $0x90000048  }
0x34: {  	_ =	sfence  }
0x35: {  	s30 =	sld [smem:$0x0];
	_ =	sdelay $0x2  }
0x36: {  	s31 =	sshll.u32 s1, $0xD;
	s1 =	sshrl.u32 s1, $0x2  }
0x37: {  	s3 =	sand.u32 $0x4000, s31;
	s1 =	sadd.s32 s1, s30  }
0x38: {  	s0 =	sor.u32 s3, s0;
	s1 =	sshll.u32 s1, $0x11  }
0x39: {  	s0 =	sor.u32 s1, s0  }
0x3a: {  	s0 =	sadd.s32 $0x8F2B, s0  }
0x3b: {  	[sflag:s0] =	ssyncadd.remote.s32 $0x1  }
0x3c: {  	_ =	sfence.sel $0xFFFF  }
0x3d: {  	[dreg:$0x0] =	wrdreg $0xFFFFFFFF;
	(pc) =	sbr.abs _section_cstart, $3  }
0x3e: {  	[dreg:$0x1] =	wrdreg $0xFFFFFFFF  }
0x3f: {  	_ =	task.clear_ibuf [dreg:s7], $0x2FFFF;
	_ =	strace $0x9FFFFFFF  }
0x40: {  	(tm) =	ssettm $0x7FFFFFFF  }
0x41: {  	_ =	shalt  }
tec
execute0_lowered:
.L_overlay_start_1:
0x0: {  	(tag) =	ssettag $0x1  }
0x1: {  	s0 =	srdreg.scid  }
0x2: {  	s1 =	sshll.u32 s0, $0x4  }
0x3: {  	s4 =	rddreg [dreg:$0x0];
	s0 =	stileid.u32;
	s1 =	sand.u32 $0x10, s1  }
0x4: {  	s2 =	rddreg [dreg:$0x1];
	s7 =	simm.s32 $0x1;
	s1 =	sor.u32 s0, s1  }
0x5: {  	s8 =	simm.s32 $0x2;
	s9 =	simm.s32 $0x0;
	s3 =	sshll.u32 s1, $0x6  }
0x6: {  	s12 =	simm.s32 $0x0;
	s11 =	simm.s32 $0x0;
	s6 =	ssub.s32 $0x8000, s3  }
.Ltmp0:
0x7: {  	s4 =	sadd.s32 $0x800, s4;
	s5 =	sand.u32 $0x7C0, s6;
	(pc) =	sbr.rel .LBB1_1-.Ltmp0, $4  }
0x8: {  	s1 =	rddreg [dreg:$0x2];
	_ =	strace $0x80000047;
	p0 =	sne.s32 s5, $0x0  }
0x9: {  	s6 =	sshrl.u32 s6, $0xB;
	s5 =	simm.s32 $0x1;
	s7 =	simm.s32 @!p0 $0x0  }
0xa: {  	s10 =	smov.u32 s3;
	[sflag:s5] =	ssyncpa.u1 $0x0;
	s6 =	sadd.s32 s7, s6  }
0xb: {  	[sflag:s8] =	ssyncpa.u1 $0x0;
	s8 =	simm.s32 $0x0;
	s7 =	sadd.s32 $0x1, s6  }
.LBB1_4:
0xc: {  	_ = 	snop  }
0xd: {  	[tilespmem:s15+$0xFFFFFFE0] =	vst v8  }
0xe: {  	[tilespmem:s15+$0xFFFFFFF0] =	vst v7  }
0xf: {  	[tilespmem:s15+$0x10] =	vst v1  }
0x10: {  	s18 =	sor.u32 s20, s19;
	v47 =	vld.idx.msk [tilespmem:v0+s16+$0x470 ss:$0x1], $0xffff;
	[tilespmem:s15+$0x20] =	vst v2  }
0x11: {  	[tilespmem:s15+$0x30] =	vst v3;
	v57 =	vld.idx.msk [tilespmem:v0+s18+$0x410 ss:$0x1], $0xffff  }
0x12: {  	[tilespmem:s15+$0x40] =	vst v4;
	v58 =	vld.idx.msk [tilespmem:v0+s18+$0x420 ss:$0x1], $0xffff  }
0x13: {  	[tilespmem:s15+$0x50] =	vst v5;
	v59 =	vld.idx.msk [tilespmem:v0+s18+$0x430 ss:$0x1], $0xffff  }
0x14: {  	[tilespmem:s15+$0x60] =	vst v6;
	v60 =	vld.idx.msk [tilespmem:v0+s18+$0x440 ss:$0x1], $0xffff  }
0x15: {  	s31 =	sadd.s32 $0x100, s15;
	s19 =	sand.u32 $0x3B00, s18;
	v61 =	vld.idx.msk [tilespmem:v0+s18+$0x450 ss:$0x1], $0xffff;
	[tilespmem:s15+$0x70] =	vst v47  }
0x16: {  	s17 =	sand.u32 $0x80, s17;
	v62 =	vld.idx.msk [tilespmem:v0+s18+$0x460 ss:$0x1], $0xffff;
	s14 =	sadd.s32 s19, s14;
	[tilespmem:s31+$0x10] =	vst v57  }
0x17: {  	v63 =	vld.idx.msk [tilespmem:v0+s18+$0x470 ss:$0x1], $0xffff;
	s14 =	sadd.s32 s17, s14;
	[tilespmem:s31+$0x20] =	vst v58  }
0x18: {  	v48 =	vld [tilespmem:s14+$0x400];
	[tilespmem:s31+$0x30] =	vst v59  }
0x19: {  	v49 =	vld [tilespmem:s14+$0x0];
	[tilespmem:s31+$0x40] =	vst v60  }
0x1a: {  	v50 =	vld [tilespmem:s14+$0x10];
	[tilespmem:s31+$0x50] =	vst v61  }
0x1b: {  	v51 =	vld [tilespmem:s14+$0x20];
	[tilespmem:s31+$0x60] =	vst v62  }
0x1c: {  	v52 =	vld [tilespmem:s14+$0x30];
	[tilespmem:s31+$0x70] =	vst v63  }
0x1d: {  	v53 =	vld [tilespmem:s14+$0x40];
	[tilespmem:s31+$0x0] =	vst v48  }
0x1e: {  	v54 =	vld [tilespmem:s14+$0x50];
	[tilespmem:s31+$0xFFFFFF80] =	vst v49  }
0x1f: {  	v55 =	vld [tilespmem:s14+$0x60];
	[tilespmem:s31+$0xFFFFFF90] =	vst v50  }
0x20: {  	v56 =	vld [tilespmem:s14+$0x70];
	[tilespmem:s31+$0xFFFFFFA0] =	vst v51  }
0x21: {  	[tilespmem:s31+$0xFFFFFFB0] =	vst v52  }
0x22: {  	[tilespmem:s31+$0xFFFFFFC0] =	vst v53  }
0x23: {  	[tilespmem:s31+$0xFFFFFFD0] =	vst v54  }
0x24: {  	s12 =	sshll.u32 s12, $0x5;
	[tilespmem:s31+$0xFFFFFFE0] =	vst v55  }
0x25: {  	s12 =	sadd.s32 s2, s12;
	[tilespmem:s31+$0xFFFFFFF0] =	vst v56  }
0x26: {  	[hbm4b:s12+s8] =	stream.linear.scatter [tilespmem:s13], [sflag:$0x2], $0x4000, $0x38;
	[tilespmem:$0x10000] =	vst v63  }
.LBB1_5:
0x27: {  	s14 =	sadd.s32 $0x800, s10  }
0x28: {  	p1 =	sgt.s32 s14, $0x7FFF  }
0x29: {  	s14 =	smov.u32 @p1 s3;
	p1 =	sne.s32 s11, s7  }
.Ltmp1:
0x2a: {  	p0 =	slt.u32 s11, $0x2;
	(pc) =	sbr.rel @!p1 .LBB1_6-.Ltmp1, $4  }
0x2b: {  	s13 =	simm.s32 @!p0 $0x2  }
0x2c: {  	s15 =	sadd.s32 $0x1, s11;
	_ =	swait.ge @!p0 [sflag:s13], $0x4000  }
0x2d: {  	s12 =	smov.u32 s10;
	s9 =	sadd.s32 $0x4000, s9;
	[sflag:s13] =	ssyncset.done @!p0 $0x0  }
0x2e: {  	s11 =	smov.u32 s15;
	s10 =	smov.u32 s14;
	[sflag:s13] =	ssyncadd.s32 @!p0 $0xFFFFC000  }
.LBB1_1:
0x2f: {  	p0 =	sge.u32 s11, s6  }
0x30: {  	s13 =	sshll.u32 @!p0 s10, $0x8;
	s14 =	sshll.u32 @!p0 s10, $0x7  }
0x31: {  	s13 =	sand.u32 @!p0 $0x7FF800, s13;
	s14 =	sand.u32 @!p0 $0x380, s14  }
0x32: {  	s15 =	sxor.u32 @!p0 $0xFFFFFFFF, s11;
	s13 =	sor.u32 @!p0 s14, s13  }
0x33: {  	s31 =	sadd.s32 $0xFFFFFFFF, s11;
	s14 =	sshll.u32 @!p0 s15, $0xE;
	s13 =	sshrl.u32 @!p0 s13, $0x3  }
0x34: {  	s15 =	simm.s32 @!p0 $0x0;
	s14 =	sand.u32 @!p0 $0x4000, s14;
	s13 =	sadd.s32 @!p0 s4, s13  }
0x35: {  	[tilespmem:s14], [sflag:$0x1] =	stream.linear.gather @!p0 [hbm4b:s13+s15], $0x4000, $0x38;
	[tilespmem:$0x10000] =	vst v63  }
0x36: {  	p0 =	sge.u32 s31, s6  }
.Ltmp2:
0x37: {  	_ = 	snop;
	(pc) =	sbr.rel @p0 .LBB1_5-.Ltmp2, $1  }
0x38: {  	_ =	sdelay $0x3  }
0x39: {  	s30 =	simm.s32 $0x0  }
0x3a: {  	s15 =	sand.u32 $0x3800, s30;
	s16 =	sand.u32 $0x380, s30  }
0x3b: {  	s13 =	sshll.u32 s11, $0xE;
	s16 =	sor.u32 s16, s15  }
0x3c: {  	_ =	swait.ge [sflag:s5], $0x4000;
	s14 =	sand.u32 $0x4000, s13;
	s15 =	sand.u32 $0x3B00, s16  }
0x3d: {  	[sflag:s5] =	ssyncset.done $0x0;
	s13 =	sand.u32 $0x80, s30;
	s15 =	sadd.s32 s15, s14  }
0x3e: {  	[sflag:s5] =	ssyncadd.s32 $0xFFFFC000;
	s13 =	sadd.s32 s13, s15  }
0x3f: {  	v4 =	vld [tilespmem:s13+$0x400]  }
0x40: {  	v5 =	vld [tilespmem:s13+$0x0]  }
0x41: {  	v6 =	vld [tilespmem:s13+$0x10]  }
0x42: {  	v0 =	vmov s14;
	v7 =	vld [tilespmem:s13+$0x20]  }
0x43: {  	v9 =	vld [tilespmem:s13+$0x30]  }
0x44: {  	v10 =	vld [tilespmem:s13+$0x40]  }
0x45: {  	s31 =	sand.u32 $0x4000, s9;
	v11 =	vld [tilespmem:s13+$0x50]  }
0x46: {  	s15 =	sor.u32 $0x8080, s31;
	v8 =	vld [tilespmem:s13+$0x60]  }
0x47: {  	v1 =	vld.idx.msk [tilespmem:v0+s16+$0x410 ss:$0x1], $0xffff;
	[tilespmem:s15+$0x0] =	vst v4  }
0x48: {  	v2 =	vld.idx.msk [tilespmem:v0+s16+$0x420 ss:$0x1], $0xffff;
	[tilespmem:s15+$0xFFFFFF80] =	vst v5  }
0x49: {  	v3 =	vld.idx.msk [tilespmem:v0+s16+$0x430 ss:$0x1], $0xffff;
	[tilespmem:s15+$0xFFFFFF90] =	vst v6  }
0x4a: {  	[tilespmem:s15+$0xFFFFFFA0] =	vst v7;
	v7 =	vld [tilespmem:s13+$0x70]  }
0x4b: {  	s18 =	simm.s32 $0x100;
	[tilespmem:s15+$0xFFFFFFB0] =	vst v9;
	v4 =	vld.idx.msk [tilespmem:v0+s16+$0x440 ss:$0x1], $0xffff  }
0x4c: {  	s17 =	simm.s32 $0x80;
	s19 =	sand.u32 $0x3800, s18;
	[tilespmem:s15+$0xFFFFFFC0] =	vst v10;
	v5 =	vld.idx.msk [tilespmem:v0+s16+$0x450 ss:$0x1], $0xffff  }
0x4d: {  	s20 =	sand.u32 $0x380, s17;
	s18 =	simm.s32 $0x200;
	s13 =	sor.u32 $0x8000, s14;
	[tilespmem:s15+$0xFFFFFFD0] =	vst v11;
	v6 =	vld.idx.msk [tilespmem:v0+s16+$0x460 ss:$0x1], $0xffff  }
.LBB1_3:
0x4e: {  	p0 =	sne.s32 s18, $0x3F00;
	[tilespmem:s15+$0xFFFFFFE0] =	vst v8;
	v8 =	vld.idx.msk [tilespmem:v0+s16+$0x470 ss:$0x1], $0xffff;
	s16 =	sor.u32 s20, s19  }
0x4f: {  	s19 =	sand.u32 $0x3B00, s16;
	v9 =	vld.idx.msk [tilespmem:v0+s16+$0x410 ss:$0x1], $0xffff;
	[tilespmem:s15+$0xFFFFFFF0] =	vst v7  }
0x50: {  	s20 =	sand.u32 $0x80, s17;
	s19 =	sadd.s32 s19, s14;
	v7 =	vld.idx.msk [tilespmem:v0+s16+$0x420 ss:$0x1], $0xffff;
	[tilespmem:s15+$0x10] =	vst v1  }
0x51: {  	s19 =	sadd.s32 s20, s19;
	v10 =	vld.idx.msk [tilespmem:v0+s16+$0x430 ss:$0x1], $0xffff;
	[tilespmem:s15+$0x20] =	vst v2  }
0x52: {  	v11 =	vld [tilespmem:s19+$0x400];
	[tilespmem:s15+$0x30] =	vst v3  }
0x53: {  	v12 =	vld [tilespmem:s19+$0x0];
	[tilespmem:s15+$0x40] =	vst v4  }
0x54: {  	v4 =	vld [tilespmem:s19+$0x10];
	[tilespmem:s15+$0x50] =	vst v5  }
0x55: {  	v1 =	vmov v9;
	v5 =	vld [tilespmem:s19+$0x20];
	[tilespmem:s15+$0x60] =	vst v6  }
0x56: {  	v2 =	vmov v7;
	v6 =	vld [tilespmem:s19+$0x30];
	[tilespmem:s15+$0x70] =	vst v8;
	s15 =	sadd.s32 $0x100, s15  }
0x57: {  	v3 =	vmov v10;
	v9 =	vld [tilespmem:s19+$0x40];
	[tilespmem:s15+$0x0] =	vst v11  }
0x58: {  	[tilespmem:s15+$0xFFFFFF80] =	vst v12;
	v10 =	vld [tilespmem:s19+$0x50]  }
.Ltmp3:
0x59: {  	[tilespmem:s15+$0xFFFFFF90] =	vst v4;
	v8 =	vld [tilespmem:s19+$0x60];
	(pc) =	sbr.rel @p0 .LBB1_3-.Ltmp3, $4  }
0x5a: {  	[tilespmem:s15+$0xFFFFFFA0] =	vst v5;
	v7 =	vld [tilespmem:s19+$0x70]  }
0x5b: {  	[tilespmem:s15+$0xFFFFFFB0] =	vst v6;
	v4 =	vld.idx.msk [tilespmem:v0+s16+$0x440 ss:$0x1], $0xffff  }
0x5c: {  	s17 =	sadd.s32 $0x80, s17;
	[tilespmem:s15+$0xFFFFFFC0] =	vst v9;
	v5 =	vld.idx.msk [tilespmem:v0+s16+$0x450 ss:$0x1], $0xffff  }
0x5d: {  	s20 =	sand.u32 $0x380, s17;
	s19 =	sand.u32 $0x3800, s18;
	s18 =	sadd.s32 $0x100, s18;
	[tilespmem:s15+$0xFFFFFFD0] =	vst v10;
	v6 =	vld.idx.msk [tilespmem:v0+s16+$0x460 ss:$0x1], $0xffff  }
.Ltmp4:
0x5e: {  	_ = 	snop;
	(pc) =	sbr.rel .LBB1_4-.Ltmp4, $1  }
0x5f: {  	_ =	sdelay $0x3  }
.LBB1_6:
0x60: {  	_ =	sfence.sel $0x180000  }
0x61: {  	s2 =	simm.s32 $0x1;
	[bflag:$0x0] =	sbarrier.arrive $0xFFFF  }
0x62: {  	s31 =	simm.s32 $0x2;
	[sflag:s2] =	ssyncpa.u1 $0x1  }
0x63: {  	[sflag:s31] =	ssyncpa.u1 $0x1  }
0x64: {  	p0 =	sne.s32 s0, $0x0;
	_ =	strace $0x90000047  }
0x65: {  	s0 =	sadd.s32 @!p0 $0x100000, s1;
	[bflag:$0x2] =	sbarrier.arrive $0xFFFF  }
0x66: {  	[sflag:s0] =	ssyncadd.tile.s32 @!p0 $0x1;
	_ =	shalt  }
.Lfunc_end1:
_tile_overlayer_lowered:
.L_overlay_start_2:
0x67: {  	(tag) =	ssettag $0x2  }
0x68: {  	s0 =	rddreg [dreg:$0x0];
	s2 =	stileid.u32  }
0x69: {  	s1 =	rddreg [dreg:$0x1];
	p0 =	sne.s32 s2, $0x0  }
0x6a: {  	s3 =	rddreg [dreg:$0x2];
	[bflag:$0x3] =	sbarrier.arrive $0xFFFF;
	s2 =	simm.s32 @!p0 $0x1C01  }
0x6b: {  	[timem:s3], [sflag:s2] =	dma.local @!p0 [hbm:s0], s1  }
0x6c: {  	s0 =	simm.s32 @!p0 $0x1  }
0x6d: {  	_ =	swait.ge @!p0 [sflag:s0], s1  }
0x6e: {  	s1 =	ssub.s32 @!p0 $0x0, s1;
	[sflag:s0] =	ssyncset.done @!p0 $0x0  }
0x6f: {  	[sflag:s0] =	ssyncadd.s32 @!p0 s1  }
0x70: {  	[bflag:$0x3] =	sbarrier.arrive $0xFFFF  }
0x71: {  	_ =	shalt  }

</sc_bundles>
